<compile_context>
chip_gen: v7x
topology: tpu7x:2x2x1
jax: 0.10.2.dev20260603
libtpu: 0.0.44.dev20260713+nightly
codegen_flags: <defaults>
</compile_context>

<pallas_src>
import functools

import jax
import jax.numpy as jnp
from jax import lax
from jax.experimental import pallas as pl
from jax.experimental.pallas import tpu as pltpu
from jax.experimental.pallas import tpu_sc as plsc

B = 16384
F = 64
NC = 2
NS = 16
NW = NC * NS
BPW = B // NW
CH = 128
NCH = BPW // CH
L = 16


def _body(user_hbm, item_hbm, uf_hbm, if_hbm, ub_hbm, ib_hbm, out_hbm,
          uidx, iidx, urows, irows, ubias, ibias, outv, sem):
    c = lax.axis_index("c")
    s = lax.axis_index("s")
    wid = s * NC + c
    row0 = wid * NCH

    pltpu.sync_copy(user_hbm.at[pl.ds(row0, NCH)], uidx)
    pltpu.sync_copy(item_hbm.at[pl.ds(row0, NCH)], iidx)

    copies = []
    for k in range(NCH):
        dst = pl.ds(k * CH, CH)
        copies.append(pltpu.async_copy(uf_hbm.at[uidx.at[k]], urows.at[dst], sem))
        copies.append(pltpu.async_copy(if_hbm.at[iidx.at[k]], irows.at[dst], sem))
        copies.append(pltpu.async_copy(ub_hbm.at[uidx.at[k]], ubias.at[dst], sem))
        copies.append(pltpu.async_copy(ib_hbm.at[iidx.at[k]], ibias.at[dst], sem))
    for cp in copies:
        cp.wait()

    lane = lax.iota(jnp.int32, L)

    def grp(g, carry):
        base = g * L
        res = jnp.zeros((L,), jnp.float32)
        for t in range(L):
            r = base + t
            acc = urows[r, pl.ds(0, L)] * irows[r, pl.ds(0, L)]
            for q in range(1, F // L):
                acc = acc + urows[r, pl.ds(q * L, L)] * irows[r, pl.ds(q * L, L)]
            res = jnp.where(lane == t, jnp.sum(acc), res)
        sl = pl.ds(base, L)
        outv[sl] = res + ubias[sl] + ibias[sl]
        return carry

    lax.fori_loop(0, BPW // L, grp, None)

    pltpu.sync_copy(outv, out_hbm.at[pl.ds(wid * BPW, BPW)])


@jax.jit
def _sc_call(user2, item2, uf, itf, ub, ib):
    grid_kernel = functools.partial(
        pl.kernel,
        out_type=jax.ShapeDtypeStruct((B,), jnp.float32),
        mesh=plsc.VectorSubcoreMesh(core_axis_name="c", subcore_axis_name="s"),
        compiler_params=pltpu.CompilerParams(
            needs_layout_passes=False, use_tc_tiling_on_sc=False),
        scratch_types=[
            pltpu.VMEM((NCH, CH), jnp.int32),
            pltpu.VMEM((NCH, CH), jnp.int32),
            pltpu.VMEM((BPW, F), jnp.float32),
            pltpu.VMEM((BPW, F), jnp.float32),
            pltpu.VMEM((BPW,), jnp.float32),
            pltpu.VMEM((BPW,), jnp.float32),
            pltpu.VMEM((BPW,), jnp.float32),
            pltpu.SemaphoreType.DMA,
        ],
    )
    return grid_kernel(_body)(user2, item2, uf, itf, ub, ib)


def kernel(user, item, user_factors, item_factors, users_biases, items_biases):
    user2 = user.astype(jnp.int32).reshape(B // CH, CH)
    item2 = item.astype(jnp.int32).reshape(B // CH, CH)
    ub = users_biases.reshape(-1)
    ib = items_biases.reshape(-1)
    return _sc_call(user2, item2, user_factors, item_factors, ub, ib)

# --- scband reference (transcript-rebuilt; emitter-appended) ---
"""Pipeline reference for scband-mfpt-3238405341975 (READ-ONLY COPY).

The authoritative reference and input builder live on the scoring server;
editing this copy changes nothing except your own understanding.
"""

import jax, jax.numpy as jnp
import numpy as np

N_USERS = 1000000
N_ITEMS = 1000000
N_FACTORS = 64
BATCH = 16384


def setup_inputs(seed: int = 0) -> dict:
    key = jax.random.key(seed)
    k1, k2, k3, k4, k5, k6 = jax.random.split(key, 6)
    user = jax.random.randint(k1, (BATCH,), 0, N_USERS, dtype=jnp.int64 if jax.config.jax_enable_x64 else jnp.int32)
    item = jax.random.randint(k2, (BATCH,), 0, N_ITEMS, dtype=jnp.int64 if jax.config.jax_enable_x64 else jnp.int32)
    user_factors = jax.random.normal(k3, (N_USERS, N_FACTORS), dtype=jnp.float32)
    item_factors = jax.random.normal(k4, (N_ITEMS, N_FACTORS), dtype=jnp.float32)
    users_biases = jax.random.normal(k5, (N_USERS, 1), dtype=jnp.float32)
    items_biases = jax.random.normal(k6, (N_ITEMS, 1), dtype=jnp.float32)
    return {
        "user": user,
        "item": item,
        "user_factors": user_factors,
        "item_factors": item_factors,
        "users_biases": users_biases,
        "items_biases": items_biases,
    }


def reference(user, item, user_factors, item_factors, users_biases, items_biases):
    # Embedding lookups (gather)
    user_embedding = jnp.take(user_factors, user, axis=0)  # [B, F]
    item_embedding = jnp.take(item_factors, item, axis=0)  # [B, F]
    preds = jnp.take(users_biases, user, axis=0)           # [B, 1]
    preds = preds + jnp.take(items_biases, item, axis=0)   # [B, 1]
    # dropout_p = 0.0 in eval -> identity
    preds = preds + jnp.sum(user_embedding * item_embedding, axis=1, keepdims=True)
    return preds.reshape(-1)

if __name__ == "__main__":
    import jax
    _d = setup_inputs()
    print(jax.jit(kernel)(*tuple(_d.values())))

</pallas_src>

<mosaic_0001>
#map = affine_map<(d0, d1) -> (0, 0)>
#map1 = affine_map<(d0, d1) -> (0)>
module attributes {stable_mosaic.version = 14 : i64} {
  func.func @_body(%arg0: i32, %arg1: i32, %arg2: memref<128x128xi32, #tpu.memory_space<hbm>>, %arg3: memref<128x128xi32, #tpu.memory_space<hbm>>, %arg4: memref<1000000x64xf32, #tpu.memory_space<hbm>>, %arg5: memref<1000000x64xf32, #tpu.memory_space<hbm>>, %arg6: memref<1000000xf32, #tpu.memory_space<hbm>>, %arg7: memref<1000000xf32, #tpu.memory_space<hbm>>, %arg8: memref<16384xf32, #tpu.memory_space<hbm>>, %arg9: memref<4x128xi32, #tpu.memory_space<vmem>>, %arg10: memref<4x128xi32, #tpu.memory_space<vmem>>, %arg11: memref<512x64xf32, #tpu.memory_space<vmem>>, %arg12: memref<512x64xf32, #tpu.memory_space<vmem>>, %arg13: memref<512xf32, #tpu.memory_space<vmem>>, %arg14: memref<512xf32, #tpu.memory_space<vmem>>, %arg15: memref<512xf32, #tpu.memory_space<vmem>>, %arg16: memref<!tpu.dma_semaphore, #tpu.memory_space<semaphore_mem>>) attributes {dimension_semantics = [#tpu.dimension_semantics<core_parallel>, #tpu.dimension_semantics<subcore_parallel>], iteration_bounds = array<i64: 2, 16>, scalar_prefetch = 0 : i64, scratch_operands = 8 : i64, tpu.core_type = #tpu.core_type<sc_vector_subcore>, window_params = [{transform_indices = #map}, {transform_indices = #map}, {transform_indices = #map}, {transform_indices = #map}, {transform_indices = #map1}, {transform_indices = #map1}, {transform_indices = #map1}]} {
    %mul3A = arith.constant 2 : i32
    %mul3A_0 = arith.muli %arg1, %mul3A : i32
    %add3A = arith.addi %mul3A_0, %arg0 : i32
    %mul3A_1 = arith.constant 4 : i32
    %mul3A_2 = arith.muli %add3A, %mul3A_1 : i32
    "tpu.region"() ({
      %run_scoped3A = tpu.sem_alloc : memref<!tpu.dma_semaphore, #tpu.memory_space<semaphore_mem>>
      %dma_start3A_295 = arith.constant 0 : i32
      %dma_start3A_296 = tpu.memref_slice %arg2[%mul3A_2, %dma_start3A_295] : memref<128x128xi32, #tpu.memory_space<hbm>> -> memref<4x128xi32, #tpu.memory_space<hbm>>
      %dma_start3A_297 = arith.constant 0 : i32
      %dma_start3A_298 = tpu.memref_slice %arg2[%mul3A_2, %dma_start3A_297] : memref<128x128xi32, #tpu.memory_space<hbm>> -> memref<4x128xi32, #tpu.memory_space<hbm>>
      tpu.enqueue_dma source(%dma_start3A_298 : memref<4x128xi32, #tpu.memory_space<hbm>>) target(%arg9 : memref<4x128xi32, #tpu.memory_space<vmem>>) target_semaphore(%run_scoped3A : memref<!tpu.dma_semaphore, #tpu.memory_space<semaphore_mem>>)
      %dma_wait3A_299 = arith.constant 0 : i32
      %dma_wait3A_300 = tpu.memref_slice %arg2[%mul3A_2, %dma_wait3A_299] : memref<128x128xi32, #tpu.memory_space<hbm>> -> memref<4x128xi32, #tpu.memory_space<hbm>>
      %dma_wait3A_301 = arith.constant 0 : i32
      %dma_wait3A_302 = tpu.memref_slice %arg2[%mul3A_2, %dma_wait3A_301] : memref<128x128xi32, #tpu.memory_space<hbm>> -> memref<4x128xi32, #tpu.memory_space<hbm>>
      tpu.wait_dma2 semaphore(%run_scoped3A : memref<!tpu.dma_semaphore, #tpu.memory_space<semaphore_mem>>) src(%dma_wait3A_302 : memref<4x128xi32, #tpu.memory_space<hbm>>) dst(%arg9 : memref<4x128xi32, #tpu.memory_space<vmem>>)
      tpu.yield
    }) : () -> ()
    "tpu.region"() ({
      %run_scoped3A = tpu.sem_alloc : memref<!tpu.dma_semaphore, #tpu.memory_space<semaphore_mem>>
      %dma_start3A_295 = arith.constant 0 : i32
      %dma_start3A_296 = tpu.memref_slice %arg3[%mul3A_2, %dma_start3A_295] : memref<128x128xi32, #tpu.memory_space<hbm>> -> memref<4x128xi32, #tpu.memory_space<hbm>>
      %dma_start3A_297 = arith.constant 0 : i32
      %dma_start3A_298 = tpu.memref_slice %arg3[%mul3A_2, %dma_start3A_297] : memref<128x128xi32, #tpu.memory_space<hbm>> -> memref<4x128xi32, #tpu.memory_space<hbm>>
      tpu.enqueue_dma source(%dma_start3A_298 : memref<4x128xi32, #tpu.memory_space<hbm>>) target(%arg10 : memref<4x128xi32, #tpu.memory_space<vmem>>) target_semaphore(%run_scoped3A : memref<!tpu.dma_semaphore, #tpu.memory_space<semaphore_mem>>)
      %dma_wait3A_299 = arith.constant 0 : i32
      %dma_wait3A_300 = tpu.memref_slice %arg3[%mul3A_2, %dma_wait3A_299] : memref<128x128xi32, #tpu.memory_space<hbm>> -> memref<4x128xi32, #tpu.memory_space<hbm>>
      %dma_wait3A_301 = arith.constant 0 : i32
      %dma_wait3A_302 = tpu.memref_slice %arg3[%mul3A_2, %dma_wait3A_301] : memref<128x128xi32, #tpu.memory_space<hbm>> -> memref<4x128xi32, #tpu.memory_space<hbm>>
      tpu.wait_dma2 semaphore(%run_scoped3A : memref<!tpu.dma_semaphore, #tpu.memory_space<semaphore_mem>>) src(%dma_wait3A_302 : memref<4x128xi32, #tpu.memory_space<hbm>>) dst(%arg10 : memref<4x128xi32, #tpu.memory_space<vmem>>)
      tpu.yield
    }) : () -> ()
    %dma_start3A = arith.constant 0 : i32
    %dma_start3A_3 = arith.constant 0 : i32
    %dma_start3A_4 = arith.constant 0 : i32
    %dma_start3A_5 = tpu.memref_slice %arg11[%dma_start3A_3, %dma_start3A_4] : memref<512x64xf32, #tpu.memory_space<vmem>> -> memref<128x64xf32, #tpu.memory_space<vmem>>
    %dma_start3A_6 = arith.constant 0 : i32
    %dma_start3A_7 = tpu.memref_slice %arg9[%dma_start3A, %dma_start3A_6] : memref<4x128xi32, #tpu.memory_space<vmem>> -> memref<1x128xi32, #tpu.memory_space<vmem>>
    %dma_start3A_8 = tpu.memref_squeeze %dma_start3A_7 : memref<1x128xi32, #tpu.memory_space<vmem>> -> memref<128xi32, #tpu.memory_space<vmem>>
    %dma_start3A_9 = arith.constant 0 : i32
    %dma_start3A_10 = arith.constant 0 : i32
    %dma_start3A_11 = tpu.memref_slice %arg4[%dma_start3A_9, %dma_start3A_10] : memref<1000000x64xf32, #tpu.memory_space<hbm>> -> memref<1000000x64xf32, #tpu.memory_space<hbm>>
    tpu.enqueue_indirect_dma source(%dma_start3A_11 : memref<1000000x64xf32, #tpu.memory_space<hbm>>) target(%dma_start3A_5 : memref<128x64xf32, #tpu.memory_space<vmem>>) offsets(%dma_start3A_8 : memref<128xi32, #tpu.memory_space<vmem>>) semaphore(%arg16 : memref<!tpu.dma_semaphore, #tpu.memory_space<semaphore_mem>>)
    %dma_start3A_12 = arith.constant 0 : i32
    %dma_start3A_13 = arith.constant 0 : i32
    %dma_start3A_14 = arith.constant 0 : i32
    %dma_start3A_15 = tpu.memref_slice %arg12[%dma_start3A_13, %dma_start3A_14] : memref<512x64xf32, #tpu.memory_space<vmem>> -> memref<128x64xf32, #tpu.memory_space<vmem>>
    %dma_start3A_16 = arith.constant 0 : i32
    %dma_start3A_17 = tpu.memref_slice %arg10[%dma_start3A_12, %dma_start3A_16] : memref<4x128xi32, #tpu.memory_space<vmem>> -> memref<1x128xi32, #tpu.memory_space<vmem>>
    %dma_start3A_18 = tpu.memref_squeeze %dma_start3A_17 : memref<1x128xi32, #tpu.memory_space<vmem>> -> memref<128xi32, #tpu.memory_space<vmem>>
    %dma_start3A_19 = arith.constant 0 : i32
    %dma_start3A_20 = arith.constant 0 : i32
    %dma_start3A_21 = tpu.memref_slice %arg5[%dma_start3A_19, %dma_start3A_20] : memref<1000000x64xf32, #tpu.memory_space<hbm>> -> memref<1000000x64xf32, #tpu.memory_space<hbm>>
    tpu.enqueue_indirect_dma source(%dma_start3A_21 : memref<1000000x64xf32, #tpu.memory_space<hbm>>) target(%dma_start3A_15 : memref<128x64xf32, #tpu.memory_space<vmem>>) offsets(%dma_start3A_18 : memref<128xi32, #tpu.memory_space<vmem>>) semaphore(%arg16 : memref<!tpu.dma_semaphore, #tpu.memory_space<semaphore_mem>>)
    %dma_start3A_22 = arith.constant 0 : i32
    %dma_start3A_23 = arith.constant 0 : i32
    %dma_start3A_24 = tpu.memref_slice %arg13[%dma_start3A_23] : memref<512xf32, #tpu.memory_space<vmem>> -> memref<128xf32, #tpu.memory_space<vmem>>
    %dma_start3A_25 = arith.constant 0 : i32
    %dma_start3A_26 = tpu.memref_slice %arg9[%dma_start3A_22, %dma_start3A_25] : memref<4x128xi32, #tpu.memory_space<vmem>> -> memref<1x128xi32, #tpu.memory_space<vmem>>
    %dma_start3A_27 = tpu.memref_squeeze %dma_start3A_26 : memref<1x128xi32, #tpu.memory_space<vmem>> -> memref<128xi32, #tpu.memory_space<vmem>>
    %dma_start3A_28 = arith.constant 0 : i32
    %dma_start3A_29 = tpu.memref_slice %arg6[%dma_start3A_28] : memref<1000000xf32, #tpu.memory_space<hbm>> -> memref<1000000xf32, #tpu.memory_space<hbm>>
    tpu.enqueue_indirect_dma source(%dma_start3A_29 : memref<1000000xf32, #tpu.memory_space<hbm>>) target(%dma_start3A_24 : memref<128xf32, #tpu.memory_space<vmem>>) offsets(%dma_start3A_27 : memref<128xi32, #tpu.memory_space<vmem>>) semaphore(%arg16 : memref<!tpu.dma_semaphore, #tpu.memory_space<semaphore_mem>>)
    %dma_start3A_30 = arith.constant 0 : i32
    %dma_start3A_31 = arith.constant 0 : i32
    %dma_start3A_32 = tpu.memref_slice %arg14[%dma_start3A_31] : memref<512xf32, #tpu.memory_space<vmem>> -> memref<128xf32, #tpu.memory_space<vmem>>
    %dma_start3A_33 = arith.constant 0 : i32
    %dma_start3A_34 = tpu.memref_slice %arg10[%dma_start3A_30, %dma_start3A_33] : memref<4x128xi32, #tpu.memory_space<vmem>> -> memref<1x128xi32, #tpu.memory_space<vmem>>
    %dma_start3A_35 = tpu.memref_squeeze %dma_start3A_34 : memref<1x128xi32, #tpu.memory_space<vmem>> -> memref<128xi32, #tpu.memory_space<vmem>>
    %dma_start3A_36 = arith.constant 0 : i32
    %dma_start3A_37 = tpu.memref_slice %arg7[%dma_start3A_36] : memref<1000000xf32, #tpu.memory_space<hbm>> -> memref<1000000xf32, #tpu.memory_space<hbm>>
    tpu.enqueue_indirect_dma source(%dma_start3A_37 : memref<1000000xf32, #tpu.memory_space<hbm>>) target(%dma_start3A_32 : memref<128xf32, #tpu.memory_space<vmem>>) offsets(%dma_start3A_35 : memref<128xi32, #tpu.memory_space<vmem>>) semaphore(%arg16 : memref<!tpu.dma_semaphore, #tpu.memory_space<semaphore_mem>>)
    %dma_start3A_38 = arith.constant 1 : i32
    %dma_start3A_39 = arith.constant 128 : i32
    %dma_start3A_40 = arith.constant 0 : i32
    %dma_start3A_41 = tpu.memref_slice %arg11[%dma_start3A_39, %dma_start3A_40] : memref<512x64xf32, #tpu.memory_space<vmem>> -> memref<128x64xf32, #tpu.memory_space<vmem>>
    %dma_start3A_42 = arith.constant 0 : i32
    %dma_start3A_43 = tpu.memref_slice %arg9[%dma_start3A_38, %dma_start3A_42] : memref<4x128xi32, #tpu.memory_space<vmem>> -> memref<1x128xi32, #tpu.memory_space<vmem>>
    %dma_start3A_44 = tpu.memref_squeeze %dma_start3A_43 : memref<1x128xi32, #tpu.memory_space<vmem>> -> memref<128xi32, #tpu.memory_space<vmem>>
    %dma_start3A_45 = arith.constant 0 : i32
    %dma_start3A_46 = arith.constant 0 : i32
    %dma_start3A_47 = tpu.memref_slice %arg4[%dma_start3A_45, %dma_start3A_46] : memref<1000000x64xf32, #tpu.memory_space<hbm>> -> memref<1000000x64xf32, #tpu.memory_space<hbm>>
    tpu.enqueue_indirect_dma source(%dma_start3A_47 : memref<1000000x64xf32, #tpu.memory_space<hbm>>) target(%dma_start3A_41 : memref<128x64xf32, #tpu.memory_space<vmem>>) offsets(%dma_start3A_44 : memref<128xi32, #tpu.memory_space<vmem>>) semaphore(%arg16 : memref<!tpu.dma_semaphore, #tpu.memory_space<semaphore_mem>>)
    %dma_start3A_48 = arith.constant 1 : i32
    %dma_start3A_49 = arith.constant 128 : i32
    %dma_start3A_50 = arith.constant 0 : i32
    %dma_start3A_51 = tpu.memref_slice %arg12[%dma_start3A_49, %dma_start3A_50] : memref<512x64xf32, #tpu.memory_space<vmem>> -> memref<128x64xf32, #tpu.memory_space<vmem>>
    %dma_start3A_52 = arith.constant 0 : i32
    %dma_start3A_53 = tpu.memref_slice %arg10[%dma_start3A_48, %dma_start3A_52] : memref<4x128xi32, #tpu.memory_space<vmem>> -> memref<1x128xi32, #tpu.memory_space<vmem>>
    %dma_start3A_54 = tpu.memref_squeeze %dma_start3A_53 : memref<1x128xi32, #tpu.memory_space<vmem>> -> memref<128xi32, #tpu.memory_space<vmem>>
    %dma_start3A_55 = arith.constant 0 : i32
    %dma_start3A_56 = arith.constant 0 : i32
    %dma_start3A_57 = tpu.memref_slice %arg5[%dma_start3A_55, %dma_start3A_56] : memref<1000000x64xf32, #tpu.memory_space<hbm>> -> memref<1000000x64xf32, #tpu.memory_space<hbm>>
    tpu.enqueue_indirect_dma source(%dma_start3A_57 : memref<1000000x64xf32, #tpu.memory_space<hbm>>) target(%dma_start3A_51 : memref<128x64xf32, #tpu.memory_space<vmem>>) offsets(%dma_start3A_54 : memref<128xi32, #tpu.memory_space<vmem>>) semaphore(%arg16 : memref<!tpu.dma_semaphore, #tpu.memory_space<semaphore_mem>>)
    %dma_start3A_58 = arith.constant 1 : i32
    %dma_start3A_59 = arith.constant 128 : i32
    %dma_start3A_60 = tpu.memref_slice %arg13[%dma_start3A_59] : memref<512xf32, #tpu.memory_space<vmem>> -> memref<128xf32, #tpu.memory_space<vmem>>
    %dma_start3A_61 = arith.constant 0 : i32
    %dma_start3A_62 = tpu.memref_slice %arg9[%dma_start3A_58, %dma_start3A_61] : memref<4x128xi32, #tpu.memory_space<vmem>> -> memref<1x128xi32, #tpu.memory_space<vmem>>
    %dma_start3A_63 = tpu.memref_squeeze %dma_start3A_62 : memref<1x128xi32, #tpu.memory_space<vmem>> -> memref<128xi32, #tpu.memory_space<vmem>>
    %dma_start3A_64 = arith.constant 0 : i32
    %dma_start3A_65 = tpu.memref_slice %arg6[%dma_start3A_64] : memref<1000000xf32, #tpu.memory_space<hbm>> -> memref<1000000xf32, #tpu.memory_space<hbm>>
    tpu.enqueue_indirect_dma source(%dma_start3A_65 : memref<1000000xf32, #tpu.memory_space<hbm>>) target(%dma_start3A_60 : memref<128xf32, #tpu.memory_space<vmem>>) offsets(%dma_start3A_63 : memref<128xi32, #tpu.memory_space<vmem>>) semaphore(%arg16 : memref<!tpu.dma_semaphore, #tpu.memory_space<semaphore_mem>>)
    %dma_start3A_66 = arith.constant 1 : i32
    %dma_start3A_67 = arith.constant 128 : i32
    %dma_start3A_68 = tpu.memref_slice %arg14[%dma_start3A_67] : memref<512xf32, #tpu.memory_space<vmem>> -> memref<128xf32, #tpu.memory_space<vmem>>
    %dma_start3A_69 = arith.constant 0 : i32
    %dma_start3A_70 = tpu.memref_slice %arg10[%dma_start3A_66, %dma_start3A_69] : memref<4x128xi32, #tpu.memory_space<vmem>> -> memref<1x128xi32, #tpu.memory_space<vmem>>
    %dma_start3A_71 = tpu.memref_squeeze %dma_start3A_70 : memref<1x128xi32, #tpu.memory_space<vmem>> -> memref<128xi32, #tpu.memory_space<vmem>>
    %dma_start3A_72 = arith.constant 0 : i32
    %dma_start3A_73 = tpu.memref_slice %arg7[%dma_start3A_72] : memref<1000000xf32, #tpu.memory_space<hbm>> -> memref<1000000xf32, #tpu.memory_space<hbm>>
    tpu.enqueue_indirect_dma source(%dma_start3A_73 : memref<1000000xf32, #tpu.memory_space<hbm>>) target(%dma_start3A_68 : memref<128xf32, #tpu.memory_space<vmem>>) offsets(%dma_start3A_71 : memref<128xi32, #tpu.memory_space<vmem>>) semaphore(%arg16 : memref<!tpu.dma_semaphore, #tpu.memory_space<semaphore_mem>>)
    %dma_start3A_74 = arith.constant 2 : i32
    %dma_start3A_75 = arith.constant 256 : i32
    %dma_start3A_76 = arith.constant 0 : i32
    %dma_start3A_77 = tpu.memref_slice %arg11[%dma_start3A_75, %dma_start3A_76] : memref<512x64xf32, #tpu.memory_space<vmem>> -> memref<128x64xf32, #tpu.memory_space<vmem>>
    %dma_start3A_78 = arith.constant 0 : i32
    %dma_start3A_79 = tpu.memref_slice %arg9[%dma_start3A_74, %dma_start3A_78] : memref<4x128xi32, #tpu.memory_space<vmem>> -> memref<1x128xi32, #tpu.memory_space<vmem>>
    %dma_start3A_80 = tpu.memref_squeeze %dma_start3A_79 : memref<1x128xi32, #tpu.memory_space<vmem>> -> memref<128xi32, #tpu.memory_space<vmem>>
    %dma_start3A_81 = arith.constant 0 : i32
    %dma_start3A_82 = arith.constant 0 : i32
    %dma_start3A_83 = tpu.memref_slice %arg4[%dma_start3A_81, %dma_start3A_82] : memref<1000000x64xf32, #tpu.memory_space<hbm>> -> memref<1000000x64xf32, #tpu.memory_space<hbm>>
    tpu.enqueue_indirect_dma source(%dma_start3A_83 : memref<1000000x64xf32, #tpu.memory_space<hbm>>) target(%dma_start3A_77 : memref<128x64xf32, #tpu.memory_space<vmem>>) offsets(%dma_start3A_80 : memref<128xi32, #tpu.memory_space<vmem>>) semaphore(%arg16 : memref<!tpu.dma_semaphore, #tpu.memory_space<semaphore_mem>>)
    %dma_start3A_84 = arith.constant 2 : i32
    %dma_start3A_85 = arith.constant 256 : i32
    %dma_start3A_86 = arith.constant 0 : i32
    %dma_start3A_87 = tpu.memref_slice %arg12[%dma_start3A_85, %dma_start3A_86] : memref<512x64xf32, #tpu.memory_space<vmem>> -> memref<128x64xf32, #tpu.memory_space<vmem>>
    %dma_start3A_88 = arith.constant 0 : i32
    %dma_start3A_89 = tpu.memref_slice %arg10[%dma_start3A_84, %dma_start3A_88] : memref<4x128xi32, #tpu.memory_space<vmem>> -> memref<1x128xi32, #tpu.memory_space<vmem>>
    %dma_start3A_90 = tpu.memref_squeeze %dma_start3A_89 : memref<1x128xi32, #tpu.memory_space<vmem>> -> memref<128xi32, #tpu.memory_space<vmem>>
    %dma_start3A_91 = arith.constant 0 : i32
    %dma_start3A_92 = arith.constant 0 : i32
    %dma_start3A_93 = tpu.memref_slice %arg5[%dma_start3A_91, %dma_start3A_92] : memref<1000000x64xf32, #tpu.memory_space<hbm>> -> memref<1000000x64xf32, #tpu.memory_space<hbm>>
    tpu.enqueue_indirect_dma source(%dma_start3A_93 : memref<1000000x64xf32, #tpu.memory_space<hbm>>) target(%dma_start3A_87 : memref<128x64xf32, #tpu.memory_space<vmem>>) offsets(%dma_start3A_90 : memref<128xi32, #tpu.memory_space<vmem>>) semaphore(%arg16 : memref<!tpu.dma_semaphore, #tpu.memory_space<semaphore_mem>>)
    %dma_start3A_94 = arith.constant 2 : i32
    %dma_start3A_95 = arith.constant 256 : i32
    %dma_start3A_96 = tpu.memref_slice %arg13[%dma_start3A_95] : memref<512xf32, #tpu.memory_space<vmem>> -> memref<128xf32, #tpu.memory_space<vmem>>
    %dma_start3A_97 = arith.constant 0 : i32
    %dma_start3A_98 = tpu.memref_slice %arg9[%dma_start3A_94, %dma_start3A_97] : memref<4x128xi32, #tpu.memory_space<vmem>> -> memref<1x128xi32, #tpu.memory_space<vmem>>
    %dma_start3A_99 = tpu.memref_squeeze %dma_start3A_98 : memref<1x128xi32, #tpu.memory_space<vmem>> -> memref<128xi32, #tpu.memory_space<vmem>>
    %dma_start3A_100 = arith.constant 0 : i32
    %dma_start3A_101 = tpu.memref_slice %arg6[%dma_start3A_100] : memref<1000000xf32, #tpu.memory_space<hbm>> -> memref<1000000xf32, #tpu.memory_space<hbm>>
    tpu.enqueue_indirect_dma source(%dma_start3A_101 : memref<1000000xf32, #tpu.memory_space<hbm>>) target(%dma_start3A_96 : memref<128xf32, #tpu.memory_space<vmem>>) offsets(%dma_start3A_99 : memref<128xi32, #tpu.memory_space<vmem>>) semaphore(%arg16 : memref<!tpu.dma_semaphore, #tpu.memory_space<semaphore_mem>>)
    %dma_start3A_102 = arith.constant 2 : i32
    %dma_start3A_103 = arith.constant 256 : i32
    %dma_start3A_104 = tpu.memref_slice %arg14[%dma_start3A_103] : memref<512xf32, #tpu.memory_space<vmem>> -> memref<128xf32, #tpu.memory_space<vmem>>
    %dma_start3A_105 = arith.constant 0 : i32
    %dma_start3A_106 = tpu.memref_slice %arg10[%dma_start3A_102, %dma_start3A_105] : memref<4x128xi32, #tpu.memory_space<vmem>> -> memref<1x128xi32, #tpu.memory_space<vmem>>
    %dma_start3A_107 = tpu.memref_squeeze %dma_start3A_106 : memref<1x128xi32, #tpu.memory_space<vmem>> -> memref<128xi32, #tpu.memory_space<vmem>>
    %dma_start3A_108 = arith.constant 0 : i32
    %dma_start3A_109 = tpu.memref_slice %arg7[%dma_start3A_108] : memref<1000000xf32, #tpu.memory_space<hbm>> -> memref<1000000xf32, #tpu.memory_space<hbm>>
    tpu.enqueue_indirect_dma source(%dma_start3A_109 : memref<1000000xf32, #tpu.memory_space<hbm>>) target(%dma_start3A_104 : memref<128xf32, #tpu.memory_space<vmem>>) offsets(%dma_start3A_107 : memref<128xi32, #tpu.memory_space<vmem>>) semaphore(%arg16 : memref<!tpu.dma_semaphore, #tpu.memory_space<semaphore_mem>>)
    %dma_start3A_110 = arith.constant 3 : i32
    %dma_start3A_111 = arith.constant 384 : i32
    %dma_start3A_112 = arith.constant 0 : i32
    %dma_start3A_113 = tpu.memref_slice %arg11[%dma_start3A_111, %dma_start3A_112] : memref<512x64xf32, #tpu.memory_space<vmem>> -> memref<128x64xf32, #tpu.memory_space<vmem>>
    %dma_start3A_114 = arith.constant 0 : i32
    %dma_start3A_115 = tpu.memref_slice %arg9[%dma_start3A_110, %dma_start3A_114] : memref<4x128xi32, #tpu.memory_space<vmem>> -> memref<1x128xi32, #tpu.memory_space<vmem>>
    %dma_start3A_116 = tpu.memref_squeeze %dma_start3A_115 : memref<1x128xi32, #tpu.memory_space<vmem>> -> memref<128xi32, #tpu.memory_space<vmem>>
    %dma_start3A_117 = arith.constant 0 : i32
    %dma_start3A_118 = arith.constant 0 : i32
    %dma_start3A_119 = tpu.memref_slice %arg4[%dma_start3A_117, %dma_start3A_118] : memref<1000000x64xf32, #tpu.memory_space<hbm>> -> memref<1000000x64xf32, #tpu.memory_space<hbm>>
    tpu.enqueue_indirect_dma source(%dma_start3A_119 : memref<1000000x64xf32, #tpu.memory_space<hbm>>) target(%dma_start3A_113 : memref<128x64xf32, #tpu.memory_space<vmem>>) offsets(%dma_start3A_116 : memref<128xi32, #tpu.memory_space<vmem>>) semaphore(%arg16 : memref<!tpu.dma_semaphore, #tpu.memory_space<semaphore_mem>>)
    %dma_start3A_120 = arith.constant 3 : i32
    %dma_start3A_121 = arith.constant 384 : i32
    %dma_start3A_122 = arith.constant 0 : i32
    %dma_start3A_123 = tpu.memref_slice %arg12[%dma_start3A_121, %dma_start3A_122] : memref<512x64xf32, #tpu.memory_space<vmem>> -> memref<128x64xf32, #tpu.memory_space<vmem>>
    %dma_start3A_124 = arith.constant 0 : i32
    %dma_start3A_125 = tpu.memref_slice %arg10[%dma_start3A_120, %dma_start3A_124] : memref<4x128xi32, #tpu.memory_space<vmem>> -> memref<1x128xi32, #tpu.memory_space<vmem>>
    %dma_start3A_126 = tpu.memref_squeeze %dma_start3A_125 : memref<1x128xi32, #tpu.memory_space<vmem>> -> memref<128xi32, #tpu.memory_space<vmem>>
    %dma_start3A_127 = arith.constant 0 : i32
    %dma_start3A_128 = arith.constant 0 : i32
    %dma_start3A_129 = tpu.memref_slice %arg5[%dma_start3A_127, %dma_start3A_128] : memref<1000000x64xf32, #tpu.memory_space<hbm>> -> memref<1000000x64xf32, #tpu.memory_space<hbm>>
    tpu.enqueue_indirect_dma source(%dma_start3A_129 : memref<1000000x64xf32, #tpu.memory_space<hbm>>) target(%dma_start3A_123 : memref<128x64xf32, #tpu.memory_space<vmem>>) offsets(%dma_start3A_126 : memref<128xi32, #tpu.memory_space<vmem>>) semaphore(%arg16 : memref<!tpu.dma_semaphore, #tpu.memory_space<semaphore_mem>>)
    %dma_start3A_130 = arith.constant 3 : i32
    %dma_start3A_131 = arith.constant 384 : i32
    %dma_start3A_132 = tpu.memref_slice %arg13[%dma_start3A_131] : memref<512xf32, #tpu.memory_space<vmem>> -> memref<128xf32, #tpu.memory_space<vmem>>
    %dma_start3A_133 = arith.constant 0 : i32
    %dma_start3A_134 = tpu.memref_slice %arg9[%dma_start3A_130, %dma_start3A_133] : memref<4x128xi32, #tpu.memory_space<vmem>> -> memref<1x128xi32, #tpu.memory_space<vmem>>
    %dma_start3A_135 = tpu.memref_squeeze %dma_start3A_134 : memref<1x128xi32, #tpu.memory_space<vmem>> -> memref<128xi32, #tpu.memory_space<vmem>>
    %dma_start3A_136 = arith.constant 0 : i32
    %dma_start3A_137 = tpu.memref_slice %arg6[%dma_start3A_136] : memref<1000000xf32, #tpu.memory_space<hbm>> -> memref<1000000xf32, #tpu.memory_space<hbm>>
    tpu.enqueue_indirect_dma source(%dma_start3A_137 : memref<1000000xf32, #tpu.memory_space<hbm>>) target(%dma_start3A_132 : memref<128xf32, #tpu.memory_space<vmem>>) offsets(%dma_start3A_135 : memref<128xi32, #tpu.memory_space<vmem>>) semaphore(%arg16 : memref<!tpu.dma_semaphore, #tpu.memory_space<semaphore_mem>>)
    %dma_start3A_138 = arith.constant 3 : i32
    %dma_start3A_139 = arith.constant 384 : i32
    %dma_start3A_140 = tpu.memref_slice %arg14[%dma_start3A_139] : memref<512xf32, #tpu.memory_space<vmem>> -> memref<128xf32, #tpu.memory_space<vmem>>
    %dma_start3A_141 = arith.constant 0 : i32
    %dma_start3A_142 = tpu.memref_slice %arg10[%dma_start3A_138, %dma_start3A_141] : memref<4x128xi32, #tpu.memory_space<vmem>> -> memref<1x128xi32, #tpu.memory_space<vmem>>
    %dma_start3A_143 = tpu.memref_squeeze %dma_start3A_142 : memref<1x128xi32, #tpu.memory_space<vmem>> -> memref<128xi32, #tpu.memory_space<vmem>>
    %dma_start3A_144 = arith.constant 0 : i32
    %dma_start3A_145 = tpu.memref_slice %arg7[%dma_start3A_144] : memref<1000000xf32, #tpu.memory_space<hbm>> -> memref<1000000xf32, #tpu.memory_space<hbm>>
    tpu.enqueue_indirect_dma source(%dma_start3A_145 : memref<1000000xf32, #tpu.memory_space<hbm>>) target(%dma_start3A_140 : memref<128xf32, #tpu.memory_space<vmem>>) offsets(%dma_start3A_143 : memref<128xi32, #tpu.memory_space<vmem>>) semaphore(%arg16 : memref<!tpu.dma_semaphore, #tpu.memory_space<semaphore_mem>>)
    %dma_wait3A = arith.constant 0 : i32
    %dma_wait3A_146 = arith.constant 0 : i32
    %dma_wait3A_147 = arith.constant 0 : i32
    %dma_wait3A_148 = tpu.memref_slice %arg11[%dma_wait3A_146, %dma_wait3A_147] : memref<512x64xf32, #tpu.memory_space<vmem>> -> memref<128x64xf32, #tpu.memory_space<vmem>>
    %dma_wait3A_149 = arith.constant 0 : i32
    %dma_wait3A_150 = tpu.memref_slice %arg9[%dma_wait3A, %dma_wait3A_149] : memref<4x128xi32, #tpu.memory_space<vmem>> -> memref<1x128xi32, #tpu.memory_space<vmem>>
    %dma_wait3A_151 = tpu.memref_squeeze %dma_wait3A_150 : memref<1x128xi32, #tpu.memory_space<vmem>> -> memref<128xi32, #tpu.memory_space<vmem>>
    %dma_wait3A_152 = arith.constant 0 : i32
    %dma_wait3A_153 = arith.constant 0 : i32
    %dma_wait3A_154 = tpu.memref_slice %arg4[%dma_wait3A_152, %dma_wait3A_153] : memref<1000000x64xf32, #tpu.memory_space<hbm>> -> memref<1000000x64xf32, #tpu.memory_space<hbm>>
    tpu.wait_indirect_dma semaphore(%arg16 : memref<!tpu.dma_semaphore, #tpu.memory_space<semaphore_mem>>) src(%dma_wait3A_154 : memref<1000000x64xf32, #tpu.memory_space<hbm>>) dst(%dma_wait3A_148 : memref<128x64xf32, #tpu.memory_space<vmem>>)
    %dma_wait3A_155 = arith.constant 0 : i32
    %dma_wait3A_156 = arith.constant 0 : i32
    %dma_wait3A_157 = arith.constant 0 : i32
    %dma_wait3A_158 = tpu.memref_slice %arg12[%dma_wait3A_156, %dma_wait3A_157] : memref<512x64xf32, #tpu.memory_space<vmem>> -> memref<128x64xf32, #tpu.memory_space<vmem>>
    %dma_wait3A_159 = arith.constant 0 : i32
    %dma_wait3A_160 = tpu.memref_slice %arg10[%dma_wait3A_155, %dma_wait3A_159] : memref<4x128xi32, #tpu.memory_space<vmem>> -> memref<1x128xi32, #tpu.memory_space<vmem>>
    %dma_wait3A_161 = tpu.memref_squeeze %dma_wait3A_160 : memref<1x128xi32, #tpu.memory_space<vmem>> -> memref<128xi32, #tpu.memory_space<vmem>>
    %dma_wait3A_162 = arith.constant 0 : i32
    %dma_wait3A_163 = arith.constant 0 : i32
    %dma_wait3A_164 = tpu.memref_slice %arg5[%dma_wait3A_162, %dma_wait3A_163] : memref<1000000x64xf32, #tpu.memory_space<hbm>> -> memref<1000000x64xf32, #tpu.memory_space<hbm>>
    tpu.wait_indirect_dma semaphore(%arg16 : memref<!tpu.dma_semaphore, #tpu.memory_space<semaphore_mem>>) src(%dma_wait3A_164 : memref<1000000x64xf32, #tpu.memory_space<hbm>>) dst(%dma_wait3A_158 : memref<128x64xf32, #tpu.memory_space<vmem>>)
    %dma_wait3A_165 = arith.constant 0 : i32
    %dma_wait3A_166 = arith.constant 0 : i32
    %dma_wait3A_167 = tpu.memref_slice %arg13[%dma_wait3A_166] : memref<512xf32, #tpu.memory_space<vmem>> -> memref<128xf32, #tpu.memory_space<vmem>>
    %dma_wait3A_168 = arith.constant 0 : i32
    %dma_wait3A_169 = tpu.memref_slice %arg9[%dma_wait3A_165, %dma_wait3A_168] : memref<4x128xi32, #tpu.memory_space<vmem>> -> memref<1x128xi32, #tpu.memory_space<vmem>>
    %dma_wait3A_170 = tpu.memref_squeeze %dma_wait3A_169 : memref<1x128xi32, #tpu.memory_space<vmem>> -> memref<128xi32, #tpu.memory_space<vmem>>
    %dma_wait3A_171 = arith.constant 0 : i32
    %dma_wait3A_172 = tpu.memref_slice %arg6[%dma_wait3A_171] : memref<1000000xf32, #tpu.memory_space<hbm>> -> memref<1000000xf32, #tpu.memory_space<hbm>>
    tpu.wait_indirect_dma semaphore(%arg16 : memref<!tpu.dma_semaphore, #tpu.memory_space<semaphore_mem>>) src(%dma_wait3A_172 : memref<1000000xf32, #tpu.memory_space<hbm>>) dst(%dma_wait3A_167 : memref<128xf32, #tpu.memory_space<vmem>>)
    %dma_wait3A_173 = arith.constant 0 : i32
    %dma_wait3A_174 = arith.constant 0 : i32
    %dma_wait3A_175 = tpu.memref_slice %arg14[%dma_wait3A_174] : memref<512xf32, #tpu.memory_space<vmem>> -> memref<128xf32, #tpu.memory_space<vmem>>
    %dma_wait3A_176 = arith.constant 0 : i32
    %dma_wait3A_177 = tpu.memref_slice %arg10[%dma_wait3A_173, %dma_wait3A_176] : memref<4x128xi32, #tpu.memory_space<vmem>> -> memref<1x128xi32, #tpu.memory_space<vmem>>
    %dma_wait3A_178 = tpu.memref_squeeze %dma_wait3A_177 : memref<1x128xi32, #tpu.memory_space<vmem>> -> memref<128xi32, #tpu.memory_space<vmem>>
    %dma_wait3A_179 = arith.constant 0 : i32
    %dma_wait3A_180 = tpu.memref_slice %arg7[%dma_wait3A_179] : memref<1000000xf32, #tpu.memory_space<hbm>> -> memref<1000000xf32, #tpu.memory_space<hbm>>
    tpu.wait_indirect_dma semaphore(%arg16 : memref<!tpu.dma_semaphore, #tpu.memory_space<semaphore_mem>>) src(%dma_wait3A_180 : memref<1000000xf32, #tpu.memory_space<hbm>>) dst(%dma_wait3A_175 : memref<128xf32, #tpu.memory_space<vmem>>)
    %dma_wait3A_181 = arith.constant 1 : i32
    %dma_wait3A_182 = arith.constant 128 : i32
    %dma_wait3A_183 = arith.constant 0 : i32
    %dma_wait3A_184 = tpu.memref_slice %arg11[%dma_wait3A_182, %dma_wait3A_183] : memref<512x64xf32, #tpu.memory_space<vmem>> -> memref<128x64xf32, #tpu.memory_space<vmem>>
    %dma_wait3A_185 = arith.constant 0 : i32
    %dma_wait3A_186 = tpu.memref_slice %arg9[%dma_wait3A_181, %dma_wait3A_185] : memref<4x128xi32, #tpu.memory_space<vmem>> -> memref<1x128xi32, #tpu.memory_space<vmem>>
    %dma_wait3A_187 = tpu.memref_squeeze %dma_wait3A_186 : memref<1x128xi32, #tpu.memory_space<vmem>> -> memref<128xi32, #tpu.memory_space<vmem>>
    %dma_wait3A_188 = arith.constant 0 : i32
    %dma_wait3A_189 = arith.constant 0 : i32
    %dma_wait3A_190 = tpu.memref_slice %arg4[%dma_wait3A_188, %dma_wait3A_189] : memref<1000000x64xf32, #tpu.memory_space<hbm>> -> memref<1000000x64xf32, #tpu.memory_space<hbm>>
    tpu.wait_indirect_dma semaphore(%arg16 : memref<!tpu.dma_semaphore, #tpu.memory_space<semaphore_mem>>) src(%dma_wait3A_190 : memref<1000000x64xf32, #tpu.memory_space<hbm>>) dst(%dma_wait3A_184 : memref<128x64xf32, #tpu.memory_space<vmem>>)
    %dma_wait3A_191 = arith.constant 1 : i32
    %dma_wait3A_192 = arith.constant 128 : i32
    %dma_wait3A_193 = arith.constant 0 : i32
    %dma_wait3A_194 = tpu.memref_slice %arg12[%dma_wait3A_192, %dma_wait3A_193] : memref<512x64xf32, #tpu.memory_space<vmem>> -> memref<128x64xf32, #tpu.memory_space<vmem>>
    %dma_wait3A_195 = arith.constant 0 : i32
    %dma_wait3A_196 = tpu.memref_slice %arg10[%dma_wait3A_191, %dma_wait3A_195] : memref<4x128xi32, #tpu.memory_space<vmem>> -> memref<1x128xi32, #tpu.memory_space<vmem>>
    %dma_wait3A_197 = tpu.memref_squeeze %dma_wait3A_196 : memref<1x128xi32, #tpu.memory_space<vmem>> -> memref<128xi32, #tpu.memory_space<vmem>>
    %dma_wait3A_198 = arith.constant 0 : i32
    %dma_wait3A_199 = arith.constant 0 : i32
    %dma_wait3A_200 = tpu.memref_slice %arg5[%dma_wait3A_198, %dma_wait3A_199] : memref<1000000x64xf32, #tpu.memory_space<hbm>> -> memref<1000000x64xf32, #tpu.memory_space<hbm>>
    tpu.wait_indirect_dma semaphore(%arg16 : memref<!tpu.dma_semaphore, #tpu.memory_space<semaphore_mem>>) src(%dma_wait3A_200 : memref<1000000x64xf32, #tpu.memory_space<hbm>>) dst(%dma_wait3A_194 : memref<128x64xf32, #tpu.memory_space<vmem>>)
    %dma_wait3A_201 = arith.constant 1 : i32
    %dma_wait3A_202 = arith.constant 128 : i32
    %dma_wait3A_203 = tpu.memref_slice %arg13[%dma_wait3A_202] : memref<512xf32, #tpu.memory_space<vmem>> -> memref<128xf32, #tpu.memory_space<vmem>>
    %dma_wait3A_204 = arith.constant 0 : i32
    %dma_wait3A_205 = tpu.memref_slice %arg9[%dma_wait3A_201, %dma_wait3A_204] : memref<4x128xi32, #tpu.memory_space<vmem>> -> memref<1x128xi32, #tpu.memory_space<vmem>>
    %dma_wait3A_206 = tpu.memref_squeeze %dma_wait3A_205 : memref<1x128xi32, #tpu.memory_space<vmem>> -> memref<128xi32, #tpu.memory_space<vmem>>
    %dma_wait3A_207 = arith.constant 0 : i32
    %dma_wait3A_208 = tpu.memref_slice %arg6[%dma_wait3A_207] : memref<1000000xf32, #tpu.memory_space<hbm>> -> memref<1000000xf32, #tpu.memory_space<hbm>>
    tpu.wait_indirect_dma semaphore(%arg16 : memref<!tpu.dma_semaphore, #tpu.memory_space<semaphore_mem>>) src(%dma_wait3A_208 : memref<1000000xf32, #tpu.memory_space<hbm>>) dst(%dma_wait3A_203 : memref<128xf32, #tpu.memory_space<vmem>>)
    %dma_wait3A_209 = arith.constant 1 : i32
    %dma_wait3A_210 = arith.constant 128 : i32
    %dma_wait3A_211 = tpu.memref_slice %arg14[%dma_wait3A_210] : memref<512xf32, #tpu.memory_space<vmem>> -> memref<128xf32, #tpu.memory_space<vmem>>
    %dma_wait3A_212 = arith.constant 0 : i32
    %dma_wait3A_213 = tpu.memref_slice %arg10[%dma_wait3A_209, %dma_wait3A_212] : memref<4x128xi32, #tpu.memory_space<vmem>> -> memref<1x128xi32, #tpu.memory_space<vmem>>
    %dma_wait3A_214 = tpu.memref_squeeze %dma_wait3A_213 : memref<1x128xi32, #tpu.memory_space<vmem>> -> memref<128xi32, #tpu.memory_space<vmem>>
    %dma_wait3A_215 = arith.constant 0 : i32
    %dma_wait3A_216 = tpu.memref_slice %arg7[%dma_wait3A_215] : memref<1000000xf32, #tpu.memory_space<hbm>> -> memref<1000000xf32, #tpu.memory_space<hbm>>
    tpu.wait_indirect_dma semaphore(%arg16 : memref<!tpu.dma_semaphore, #tpu.memory_space<semaphore_mem>>) src(%dma_wait3A_216 : memref<1000000xf32, #tpu.memory_space<hbm>>) dst(%dma_wait3A_211 : memref<128xf32, #tpu.memory_space<vmem>>)
    %dma_wait3A_217 = arith.constant 2 : i32
    %dma_wait3A_218 = arith.constant 256 : i32
    %dma_wait3A_219 = arith.constant 0 : i32
    %dma_wait3A_220 = tpu.memref_slice %arg11[%dma_wait3A_218, %dma_wait3A_219] : memref<512x64xf32, #tpu.memory_space<vmem>> -> memref<128x64xf32, #tpu.memory_space<vmem>>
    %dma_wait3A_221 = arith.constant 0 : i32
    %dma_wait3A_222 = tpu.memref_slice %arg9[%dma_wait3A_217, %dma_wait3A_221] : memref<4x128xi32, #tpu.memory_space<vmem>> -> memref<1x128xi32, #tpu.memory_space<vmem>>
    %dma_wait3A_223 = tpu.memref_squeeze %dma_wait3A_222 : memref<1x128xi32, #tpu.memory_space<vmem>> -> memref<128xi32, #tpu.memory_space<vmem>>
    %dma_wait3A_224 = arith.constant 0 : i32
    %dma_wait3A_225 = arith.constant 0 : i32
    %dma_wait3A_226 = tpu.memref_slice %arg4[%dma_wait3A_224, %dma_wait3A_225] : memref<1000000x64xf32, #tpu.memory_space<hbm>> -> memref<1000000x64xf32, #tpu.memory_space<hbm>>
    tpu.wait_indirect_dma semaphore(%arg16 : memref<!tpu.dma_semaphore, #tpu.memory_space<semaphore_mem>>) src(%dma_wait3A_226 : memref<1000000x64xf32, #tpu.memory_space<hbm>>) dst(%dma_wait3A_220 : memref<128x64xf32, #tpu.memory_space<vmem>>)
    %dma_wait3A_227 = arith.constant 2 : i32
    %dma_wait3A_228 = arith.constant 256 : i32
    %dma_wait3A_229 = arith.constant 0 : i32
    %dma_wait3A_230 = tpu.memref_slice %arg12[%dma_wait3A_228, %dma_wait3A_229] : memref<512x64xf32, #tpu.memory_space<vmem>> -> memref<128x64xf32, #tpu.memory_space<vmem>>
    %dma_wait3A_231 = arith.constant 0 : i32
    %dma_wait3A_232 = tpu.memref_slice %arg10[%dma_wait3A_227, %dma_wait3A_231] : memref<4x128xi32, #tpu.memory_space<vmem>> -> memref<1x128xi32, #tpu.memory_space<vmem>>
    %dma_wait3A_233 = tpu.memref_squeeze %dma_wait3A_232 : memref<1x128xi32, #tpu.memory_space<vmem>> -> memref<128xi32, #tpu.memory_space<vmem>>
    %dma_wait3A_234 = arith.constant 0 : i32
    %dma_wait3A_235 = arith.constant 0 : i32
    %dma_wait3A_236 = tpu.memref_slice %arg5[%dma_wait3A_234, %dma_wait3A_235] : memref<1000000x64xf32, #tpu.memory_space<hbm>> -> memref<1000000x64xf32, #tpu.memory_space<hbm>>
    tpu.wait_indirect_dma semaphore(%arg16 : memref<!tpu.dma_semaphore, #tpu.memory_space<semaphore_mem>>) src(%dma_wait3A_236 : memref<1000000x64xf32, #tpu.memory_space<hbm>>) dst(%dma_wait3A_230 : memref<128x64xf32, #tpu.memory_space<vmem>>)
    %dma_wait3A_237 = arith.constant 2 : i32
    %dma_wait3A_238 = arith.constant 256 : i32
    %dma_wait3A_239 = tpu.memref_slice %arg13[%dma_wait3A_238] : memref<512xf32, #tpu.memory_space<vmem>> -> memref<128xf32, #tpu.memory_space<vmem>>
    %dma_wait3A_240 = arith.constant 0 : i32
    %dma_wait3A_241 = tpu.memref_slice %arg9[%dma_wait3A_237, %dma_wait3A_240] : memref<4x128xi32, #tpu.memory_space<vmem>> -> memref<1x128xi32, #tpu.memory_space<vmem>>
    %dma_wait3A_242 = tpu.memref_squeeze %dma_wait3A_241 : memref<1x128xi32, #tpu.memory_space<vmem>> -> memref<128xi32, #tpu.memory_space<vmem>>
    %dma_wait3A_243 = arith.constant 0 : i32
    %dma_wait3A_244 = tpu.memref_slice %arg6[%dma_wait3A_243] : memref<1000000xf32, #tpu.memory_space<hbm>> -> memref<1000000xf32, #tpu.memory_space<hbm>>
    tpu.wait_indirect_dma semaphore(%arg16 : memref<!tpu.dma_semaphore, #tpu.memory_space<semaphore_mem>>) src(%dma_wait3A_244 : memref<1000000xf32, #tpu.memory_space<hbm>>) dst(%dma_wait3A_239 : memref<128xf32, #tpu.memory_space<vmem>>)
    %dma_wait3A_245 = arith.constant 2 : i32
    %dma_wait3A_246 = arith.constant 256 : i32
    %dma_wait3A_247 = tpu.memref_slice %arg14[%dma_wait3A_246] : memref<512xf32, #tpu.memory_space<vmem>> -> memref<128xf32, #tpu.memory_space<vmem>>
    %dma_wait3A_248 = arith.constant 0 : i32
    %dma_wait3A_249 = tpu.memref_slice %arg10[%dma_wait3A_245, %dma_wait3A_248] : memref<4x128xi32, #tpu.memory_space<vmem>> -> memref<1x128xi32, #tpu.memory_space<vmem>>
    %dma_wait3A_250 = tpu.memref_squeeze %dma_wait3A_249 : memref<1x128xi32, #tpu.memory_space<vmem>> -> memref<128xi32, #tpu.memory_space<vmem>>
    %dma_wait3A_251 = arith.constant 0 : i32
    %dma_wait3A_252 = tpu.memref_slice %arg7[%dma_wait3A_251] : memref<1000000xf32, #tpu.memory_space<hbm>> -> memref<1000000xf32, #tpu.memory_space<hbm>>
    tpu.wait_indirect_dma semaphore(%arg16 : memref<!tpu.dma_semaphore, #tpu.memory_space<semaphore_mem>>) src(%dma_wait3A_252 : memref<1000000xf32, #tpu.memory_space<hbm>>) dst(%dma_wait3A_247 : memref<128xf32, #tpu.memory_space<vmem>>)
    %dma_wait3A_253 = arith.constant 3 : i32
    %dma_wait3A_254 = arith.constant 384 : i32
    %dma_wait3A_255 = arith.constant 0 : i32
    %dma_wait3A_256 = tpu.memref_slice %arg11[%dma_wait3A_254, %dma_wait3A_255] : memref<512x64xf32, #tpu.memory_space<vmem>> -> memref<128x64xf32, #tpu.memory_space<vmem>>
    %dma_wait3A_257 = arith.constant 0 : i32
    %dma_wait3A_258 = tpu.memref_slice %arg9[%dma_wait3A_253, %dma_wait3A_257] : memref<4x128xi32, #tpu.memory_space<vmem>> -> memref<1x128xi32, #tpu.memory_space<vmem>>
    %dma_wait3A_259 = tpu.memref_squeeze %dma_wait3A_258 : memref<1x128xi32, #tpu.memory_space<vmem>> -> memref<128xi32, #tpu.memory_space<vmem>>
    %dma_wait3A_260 = arith.constant 0 : i32
    %dma_wait3A_261 = arith.constant 0 : i32
    %dma_wait3A_262 = tpu.memref_slice %arg4[%dma_wait3A_260, %dma_wait3A_261] : memref<1000000x64xf32, #tpu.memory_space<hbm>> -> memref<1000000x64xf32, #tpu.memory_space<hbm>>
    tpu.wait_indirect_dma semaphore(%arg16 : memref<!tpu.dma_semaphore, #tpu.memory_space<semaphore_mem>>) src(%dma_wait3A_262 : memref<1000000x64xf32, #tpu.memory_space<hbm>>) dst(%dma_wait3A_256 : memref<128x64xf32, #tpu.memory_space<vmem>>)
    %dma_wait3A_263 = arith.constant 3 : i32
    %dma_wait3A_264 = arith.constant 384 : i32
    %dma_wait3A_265 = arith.constant 0 : i32
    %dma_wait3A_266 = tpu.memref_slice %arg12[%dma_wait3A_264, %dma_wait3A_265] : memref<512x64xf32, #tpu.memory_space<vmem>> -> memref<128x64xf32, #tpu.memory_space<vmem>>
    %dma_wait3A_267 = arith.constant 0 : i32
    %dma_wait3A_268 = tpu.memref_slice %arg10[%dma_wait3A_263, %dma_wait3A_267] : memref<4x128xi32, #tpu.memory_space<vmem>> -> memref<1x128xi32, #tpu.memory_space<vmem>>
    %dma_wait3A_269 = tpu.memref_squeeze %dma_wait3A_268 : memref<1x128xi32, #tpu.memory_space<vmem>> -> memref<128xi32, #tpu.memory_space<vmem>>
    %dma_wait3A_270 = arith.constant 0 : i32
    %dma_wait3A_271 = arith.constant 0 : i32
    %dma_wait3A_272 = tpu.memref_slice %arg5[%dma_wait3A_270, %dma_wait3A_271] : memref<1000000x64xf32, #tpu.memory_space<hbm>> -> memref<1000000x64xf32, #tpu.memory_space<hbm>>
    tpu.wait_indirect_dma semaphore(%arg16 : memref<!tpu.dma_semaphore, #tpu.memory_space<semaphore_mem>>) src(%dma_wait3A_272 : memref<1000000x64xf32, #tpu.memory_space<hbm>>) dst(%dma_wait3A_266 : memref<128x64xf32, #tpu.memory_space<vmem>>)
    %dma_wait3A_273 = arith.constant 3 : i32
    %dma_wait3A_274 = arith.constant 384 : i32
    %dma_wait3A_275 = tpu.memref_slice %arg13[%dma_wait3A_274] : memref<512xf32, #tpu.memory_space<vmem>> -> memref<128xf32, #tpu.memory_space<vmem>>
    %dma_wait3A_276 = arith.constant 0 : i32
    %dma_wait3A_277 = tpu.memref_slice %arg9[%dma_wait3A_273, %dma_wait3A_276] : memref<4x128xi32, #tpu.memory_space<vmem>> -> memref<1x128xi32, #tpu.memory_space<vmem>>
    %dma_wait3A_278 = tpu.memref_squeeze %dma_wait3A_277 : memref<1x128xi32, #tpu.memory_space<vmem>> -> memref<128xi32, #tpu.memory_space<vmem>>
    %dma_wait3A_279 = arith.constant 0 : i32
    %dma_wait3A_280 = tpu.memref_slice %arg6[%dma_wait3A_279] : memref<1000000xf32, #tpu.memory_space<hbm>> -> memref<1000000xf32, #tpu.memory_space<hbm>>
    tpu.wait_indirect_dma semaphore(%arg16 : memref<!tpu.dma_semaphore, #tpu.memory_space<semaphore_mem>>) src(%dma_wait3A_280 : memref<1000000xf32, #tpu.memory_space<hbm>>) dst(%dma_wait3A_275 : memref<128xf32, #tpu.memory_space<vmem>>)
    %dma_wait3A_281 = arith.constant 3 : i32
    %dma_wait3A_282 = arith.constant 384 : i32
    %dma_wait3A_283 = tpu.memref_slice %arg14[%dma_wait3A_282] : memref<512xf32, #tpu.memory_space<vmem>> -> memref<128xf32, #tpu.memory_space<vmem>>
    %dma_wait3A_284 = arith.constant 0 : i32
    %dma_wait3A_285 = tpu.memref_slice %arg10[%dma_wait3A_281, %dma_wait3A_284] : memref<4x128xi32, #tpu.memory_space<vmem>> -> memref<1x128xi32, #tpu.memory_space<vmem>>
    %dma_wait3A_286 = tpu.memref_squeeze %dma_wait3A_285 : memref<1x128xi32, #tpu.memory_space<vmem>> -> memref<128xi32, #tpu.memory_space<vmem>>
    %dma_wait3A_287 = arith.constant 0 : i32
    %dma_wait3A_288 = tpu.memref_slice %arg7[%dma_wait3A_287] : memref<1000000xf32, #tpu.memory_space<hbm>> -> memref<1000000xf32, #tpu.memory_space<hbm>>
    tpu.wait_indirect_dma semaphore(%arg16 : memref<!tpu.dma_semaphore, #tpu.memory_space<semaphore_mem>>) src(%dma_wait3A_288 : memref<1000000xf32, #tpu.memory_space<hbm>>) dst(%dma_wait3A_283 : memref<128xf32, #tpu.memory_space<vmem>>)
    %iota3A = tpu.iota {dimensions = array<i32: 0>} : vector<16xi32>
    %scan3A = arith.constant 0 : i32
    %scan3A_289 = arith.constant 32 : i32
    %scan3A_290 = arith.addi %scan3A, %scan3A_289 : i32
    %scan3A_291 = arith.constant 1 : i32
    scf.for %scan3A_295 = %scan3A to %scan3A_290 step %scan3A_291  : i32 {
      %mul3A_296 = arith.constant 16 : i32
      %mul3A_297 = arith.muli %scan3A_295, %mul3A_296 : i32
      %broadcast_in_dim3A = arith.constant 0.000000e+00 : f32
      %broadcast_in_dim3A_298 = vector.broadcast %broadcast_in_dim3A : f32 to vector<16xf32>
      %add3A_299 = arith.constant 0 : i32
      %add3A_300 = arith.addi %mul3A_297, %add3A_299 : i32
      %get3A = arith.index_cast %add3A_300 : i32 to index
      %get3A_301 = arith.constant 0 : index
      %get3A_302 = tpu.vector_load %arg11[%get3A, %get3A_301] {strides = array<i32>} : memref<512x64xf32, #tpu.memory_space<vmem>>, vector<16xf32>,
      %get3A_303 = arith.index_cast %add3A_300 : i32 to index
      %get3A_304 = arith.constant 0 : index
      %get3A_305 = tpu.vector_load %arg12[%get3A_303, %get3A_304] {strides = array<i32>} : memref<512x64xf32, #tpu.memory_space<vmem>>, vector<16xf32>,
      %mul3A_306 = arith.mulf %get3A_302, %get3A_305 : vector<16xf32>
      %get3A_307 = arith.index_cast %add3A_300 : i32 to index
      %get3A_308 = arith.constant 16 : index
      %get3A_309 = tpu.vector_load %arg11[%get3A_307, %get3A_308] {strides = array<i32>} : memref<512x64xf32, #tpu.memory_space<vmem>>, vector<16xf32>,
      %get3A_310 = arith.index_cast %add3A_300 : i32 to index
      %get3A_311 = arith.constant 16 : index
      %get3A_312 = tpu.vector_load %arg12[%get3A_310, %get3A_311] {strides = array<i32>} : memref<512x64xf32, #tpu.memory_space<vmem>>, vector<16xf32>,
      %mul3A_313 = arith.mulf %get3A_309, %get3A_312 : vector<16xf32>
      %add3A_314 = arith.addf %mul3A_306, %mul3A_313 : vector<16xf32>
      %get3A_315 = arith.index_cast %add3A_300 : i32 to index
      %get3A_316 = arith.constant 32 : index
      %get3A_317 = tpu.vector_load %arg11[%get3A_315, %get3A_316] {strides = array<i32>} : memref<512x64xf32, #tpu.memory_space<vmem>>, vector<16xf32>,
      %get3A_318 = arith.index_cast %add3A_300 : i32 to index
      %get3A_319 = arith.constant 32 : index
      %get3A_320 = tpu.vector_load %arg12[%get3A_318, %get3A_319] {strides = array<i32>} : memref<512x64xf32, #tpu.memory_space<vmem>>, vector<16xf32>,
      %mul3A_321 = arith.mulf %get3A_317, %get3A_320 : vector<16xf32>
      %add3A_322 = arith.addf %add3A_314, %mul3A_321 : vector<16xf32>
      %get3A_323 = arith.index_cast %add3A_300 : i32 to index
      %get3A_324 = arith.constant 48 : index
      %get3A_325 = tpu.vector_load %arg11[%get3A_323, %get3A_324] {strides = array<i32>} : memref<512x64xf32, #tpu.memory_space<vmem>>, vector<16xf32>,
      %get3A_326 = arith.index_cast %add3A_300 : i32 to index
      %get3A_327 = arith.constant 48 : index
      %get3A_328 = tpu.vector_load %arg12[%get3A_326, %get3A_327] {strides = array<i32>} : memref<512x64xf32, #tpu.memory_space<vmem>>, vector<16xf32>,
      %mul3A_329 = arith.mulf %get3A_325, %get3A_328 : vector<16xf32>
      %add3A_330 = arith.addf %add3A_322, %mul3A_329 : vector<16xf32>
      %eq3A = arith.constant 0 : i32
      %eq3A_331 = vector.broadcast %eq3A : i32 to vector<16xi32>
      %eq3A_332 = arith.cmpi eq, %iota3A, %eq3A_331 : vector<16xi32>
      %reduce_sum3A = arith.constant true
      %reduce_sum3A_333 = vector.broadcast %reduce_sum3A : i1 to vector<16xi1>
      %reduce_sum3A_334 = tpu.scan <sum>, %add3A_330 masked %reduce_sum3A_333 : vector<16xf32>, vector<16xi1> -> vector<16xf32>
      %reduce_sum3A_335 = vector.extract %reduce_sum3A_334[15] : f32 from vector<16xf32>
      %broadcast_in_dim3A_336 = vector.broadcast %reduce_sum3A_335 : f32 to vector<16xf32>
      %select_n3A = arith.select %eq3A_332, %broadcast_in_dim3A_336, %broadcast_in_dim3A_298 : vector<16xi1>, vector<16xf32>
      %add3A_337 = arith.constant 1 : i32
      %add3A_338 = arith.addi %mul3A_297, %add3A_337 : i32
      %get3A_339 = arith.index_cast %add3A_338 : i32 to index
      %get3A_340 = arith.constant 0 : index
      %get3A_341 = tpu.vector_load %arg11[%get3A_339, %get3A_340] {strides = array<i32>} : memref<512x64xf32, #tpu.memory_space<vmem>>, vector<16xf32>,
      %get3A_342 = arith.index_cast %add3A_338 : i32 to index
      %get3A_343 = arith.constant 0 : index
      %get3A_344 = tpu.vector_load %arg12[%get3A_342, %get3A_343] {strides = array<i32>} : memref<512x64xf32, #tpu.memory_space<vmem>>, vector<16xf32>,
      %mul3A_345 = arith.mulf %get3A_341, %get3A_344 : vector<16xf32>
      %get3A_346 = arith.index_cast %add3A_338 : i32 to index
      %get3A_347 = arith.constant 16 : index
      %get3A_348 = tpu.vector_load %arg11[%get3A_346, %get3A_347] {strides = array<i32>} : memref<512x64xf32, #tpu.memory_space<vmem>>, vector<16xf32>,
      %get3A_349 = arith.index_cast %add3A_338 : i32 to index
      %get3A_350 = arith.constant 16 : index
      %get3A_351 = tpu.vector_load %arg12[%get3A_349, %get3A_350] {strides = array<i32>} : memref<512x64xf32, #tpu.memory_space<vmem>>, vector<16xf32>,
      %mul3A_352 = arith.mulf %get3A_348, %get3A_351 : vector<16xf32>
      %add3A_353 = arith.addf %mul3A_345, %mul3A_352 : vector<16xf32>
      %get3A_354 = arith.index_cast %add3A_338 : i32 to index
      %get3A_355 = arith.constant 32 : index
      %get3A_356 = tpu.vector_load %arg11[%get3A_354, %get3A_355] {strides = array<i32>} : memref<512x64xf32, #tpu.memory_space<vmem>>, vector<16xf32>,
      %get3A_357 = arith.index_cast %add3A_338 : i32 to index
      %get3A_358 = arith.constant 32 : index
      %get3A_359 = tpu.vector_load %arg12[%get3A_357, %get3A_358] {strides = array<i32>} : memref<512x64xf32, #tpu.memory_space<vmem>>, vector<16xf32>,
      %mul3A_360 = arith.mulf %get3A_356, %get3A_359 : vector<16xf32>
      %add3A_361 = arith.addf %add3A_353, %mul3A_360 : vector<16xf32>
      %get3A_362 = arith.index_cast %add3A_338 : i32 to index
      %get3A_363 = arith.constant 48 : index
      %get3A_364 = tpu.vector_load %arg11[%get3A_362, %get3A_363] {strides = array<i32>} : memref<512x64xf32, #tpu.memory_space<vmem>>, vector<16xf32>,
      %get3A_365 = arith.index_cast %add3A_338 : i32 to index
      %get3A_366 = arith.constant 48 : index
      %get3A_367 = tpu.vector_load %arg12[%get3A_365, %get3A_366] {strides = array<i32>} : memref<512x64xf32, #tpu.memory_space<vmem>>, vector<16xf32>,
      %mul3A_368 = arith.mulf %get3A_364, %get3A_367 : vector<16xf32>
      %add3A_369 = arith.addf %add3A_361, %mul3A_368 : vector<16xf32>
      %eq3A_370 = arith.constant 1 : i32
      %eq3A_371 = vector.broadcast %eq3A_370 : i32 to vector<16xi32>
      %eq3A_372 = arith.cmpi eq, %iota3A, %eq3A_371 : vector<16xi32>
      %reduce_sum3A_373 = arith.constant true
      %reduce_sum3A_374 = vector.broadcast %reduce_sum3A_373 : i1 to vector<16xi1>
      %reduce_sum3A_375 = tpu.scan <sum>, %add3A_369 masked %reduce_sum3A_374 : vector<16xf32>, vector<16xi1> -> vector<16xf32>
      %reduce_sum3A_376 = vector.extract %reduce_sum3A_375[15] : f32 from vector<16xf32>
      %broadcast_in_dim3A_377 = vector.broadcast %reduce_sum3A_376 : f32 to vector<16xf32>
      %select_n3A_378 = arith.select %eq3A_372, %broadcast_in_dim3A_377, %select_n3A : vector<16xi1>, vector<16xf32>
      %add3A_379 = arith.constant 2 : i32
      %add3A_380 = arith.addi %mul3A_297, %add3A_379 : i32
      %get3A_381 = arith.index_cast %add3A_380 : i32 to index
      %get3A_382 = arith.constant 0 : index
      %get3A_383 = tpu.vector_load %arg11[%get3A_381, %get3A_382] {strides = array<i32>} : memref<512x64xf32, #tpu.memory_space<vmem>>, vector<16xf32>,
      %get3A_384 = arith.index_cast %add3A_380 : i32 to index
      %get3A_385 = arith.constant 0 : index
      %get3A_386 = tpu.vector_load %arg12[%get3A_384, %get3A_385] {strides = array<i32>} : memref<512x64xf32, #tpu.memory_space<vmem>>, vector<16xf32>,
      %mul3A_387 = arith.mulf %get3A_383, %get3A_386 : vector<16xf32>
      %get3A_388 = arith.index_cast %add3A_380 : i32 to index
      %get3A_389 = arith.constant 16 : index
      %get3A_390 = tpu.vector_load %arg11[%get3A_388, %get3A_389] {strides = array<i32>} : memref<512x64xf32, #tpu.memory_space<vmem>>, vector<16xf32>,
      %get3A_391 = arith.index_cast %add3A_380 : i32 to index
      %get3A_392 = arith.constant 16 : index
      %get3A_393 = tpu.vector_load %arg12[%get3A_391, %get3A_392] {strides = array<i32>} : memref<512x64xf32, #tpu.memory_space<vmem>>, vector<16xf32>,
      %mul3A_394 = arith.mulf %get3A_390, %get3A_393 : vector<16xf32>
      %add3A_395 = arith.addf %mul3A_387, %mul3A_394 : vector<16xf32>
      %get3A_396 = arith.index_cast %add3A_380 : i32 to index
      %get3A_397 = arith.constant 32 : index
      %get3A_398 = tpu.vector_load %arg11[%get3A_396, %get3A_397] {strides = array<i32>} : memref<512x64xf32, #tpu.memory_space<vmem>>, vector<16xf32>,
      %get3A_399 = arith.index_cast %add3A_380 : i32 to index
      %get3A_400 = arith.constant 32 : index
      %get3A_401 = tpu.vector_load %arg12[%get3A_399, %get3A_400] {strides = array<i32>} : memref<512x64xf32, #tpu.memory_space<vmem>>, vector<16xf32>,
      %mul3A_402 = arith.mulf %get3A_398, %get3A_401 : vector<16xf32>
      %add3A_403 = arith.addf %add3A_395, %mul3A_402 : vector<16xf32>
      %get3A_404 = arith.index_cast %add3A_380 : i32 to index
      %get3A_405 = arith.constant 48 : index
      %get3A_406 = tpu.vector_load %arg11[%get3A_404, %get3A_405] {strides = array<i32>} : memref<512x64xf32, #tpu.memory_space<vmem>>, vector<16xf32>,
      %get3A_407 = arith.index_cast %add3A_380 : i32 to index
      %get3A_408 = arith.constant 48 : index
      %get3A_409 = tpu.vector_load %arg12[%get3A_407, %get3A_408] {strides = array<i32>} : memref<512x64xf32, #tpu.memory_space<vmem>>, vector<16xf32>,
      %mul3A_410 = arith.mulf %get3A_406, %get3A_409 : vector<16xf32>
      %add3A_411 = arith.addf %add3A_403, %mul3A_410 : vector<16xf32>
      %eq3A_412 = arith.constant 2 : i32
      %eq3A_413 = vector.broadcast %eq3A_412 : i32 to vector<16xi32>
      %eq3A_414 = arith.cmpi eq, %iota3A, %eq3A_413 : vector<16xi32>
      %reduce_sum3A_415 = arith.constant true
      %reduce_sum3A_416 = vector.broadcast %reduce_sum3A_415 : i1 to vector<16xi1>
      %reduce_sum3A_417 = tpu.scan <sum>, %add3A_411 masked %reduce_sum3A_416 : vector<16xf32>, vector<16xi1> -> vector<16xf32>
      %reduce_sum3A_418 = vector.extract %reduce_sum3A_417[15] : f32 from vector<16xf32>
      %broadcast_in_dim3A_419 = vector.broadcast %reduce_sum3A_418 : f32 to vector<16xf32>
      %select_n3A_420 = arith.select %eq3A_414, %broadcast_in_dim3A_419, %select_n3A_378 : vector<16xi1>, vector<16xf32>
      %add3A_421 = arith.constant 3 : i32
      %add3A_422 = arith.addi %mul3A_297, %add3A_421 : i32
      %get3A_423 = arith.index_cast %add3A_422 : i32 to index
      %get3A_424 = arith.constant 0 : index
      %get3A_425 = tpu.vector_load %arg11[%get3A_423, %get3A_424] {strides = array<i32>} : memref<512x64xf32, #tpu.memory_space<vmem>>, vector<16xf32>,
      %get3A_426 = arith.index_cast %add3A_422 : i32 to index
      %get3A_427 = arith.constant 0 : index
      %get3A_428 = tpu.vector_load %arg12[%get3A_426, %get3A_427] {strides = array<i32>} : memref<512x64xf32, #tpu.memory_space<vmem>>, vector<16xf32>,
      %mul3A_429 = arith.mulf %get3A_425, %get3A_428 : vector<16xf32>
      %get3A_430 = arith.index_cast %add3A_422 : i32 to index
      %get3A_431 = arith.constant 16 : index
      %get3A_432 = tpu.vector_load %arg11[%get3A_430, %get3A_431] {strides = array<i32>} : memref<512x64xf32, #tpu.memory_space<vmem>>, vector<16xf32>,
      %get3A_433 = arith.index_cast %add3A_422 : i32 to index
      %get3A_434 = arith.constant 16 : index
      %get3A_435 = tpu.vector_load %arg12[%get3A_433, %get3A_434] {strides = array<i32>} : memref<512x64xf32, #tpu.memory_space<vmem>>, vector<16xf32>,
      %mul3A_436 = arith.mulf %get3A_432, %get3A_435 : vector<16xf32>
      %add3A_437 = arith.addf %mul3A_429, %mul3A_436 : vector<16xf32>
      %get3A_438 = arith.index_cast %add3A_422 : i32 to index
      %get3A_439 = arith.constant 32 : index
      %get3A_440 = tpu.vector_load %arg11[%get3A_438, %get3A_439] {strides = array<i32>} : memref<512x64xf32, #tpu.memory_space<vmem>>, vector<16xf32>,
      %get3A_441 = arith.index_cast %add3A_422 : i32 to index
      %get3A_442 = arith.constant 32 : index
      %get3A_443 = tpu.vector_load %arg12[%get3A_441, %get3A_442] {strides = array<i32>} : memref<512x64xf32, #tpu.memory_space<vmem>>, vector<16xf32>,
      %mul3A_444 = arith.mulf %get3A_440, %get3A_443 : vector<16xf32>
      %add3A_445 = arith.addf %add3A_437, %mul3A_444 : vector<16xf32>
      %get3A_446 = arith.index_cast %add3A_422 : i32 to index
      %get3A_447 = arith.constant 48 : index
      %get3A_448 = tpu.vector_load %arg11[%get3A_446, %get3A_447] {strides = array<i32>} : memref<512x64xf32, #tpu.memory_space<vmem>>, vector<16xf32>,
      %get3A_449 = arith.index_cast %add3A_422 : i32 to index
      %get3A_450 = arith.constant 48 : index
      %get3A_451 = tpu.vector_load %arg12[%get3A_449, %get3A_450] {strides = array<i32>} : memref<512x64xf32, #tpu.memory_space<vmem>>, vector<16xf32>,
      %mul3A_452 = arith.mulf %get3A_448, %get3A_451 : vector<16xf32>
      %add3A_453 = arith.addf %add3A_445, %mul3A_452 : vector<16xf32>
      %eq3A_454 = arith.constant 3 : i32
      %eq3A_455 = vector.broadcast %eq3A_454 : i32 to vector<16xi32>
      %eq3A_456 = arith.cmpi eq, %iota3A, %eq3A_455 : vector<16xi32>
      %reduce_sum3A_457 = arith.constant true
      %reduce_sum3A_458 = vector.broadcast %reduce_sum3A_457 : i1 to vector<16xi1>
      %reduce_sum3A_459 = tpu.scan <sum>, %add3A_453 masked %reduce_sum3A_458 : vector<16xf32>, vector<16xi1> -> vector<16xf32>
      %reduce_sum3A_460 = vector.extract %reduce_sum3A_459[15] : f32 from vector<16xf32>
      %broadcast_in_dim3A_461 = vector.broadcast %reduce_sum3A_460 : f32 to vector<16xf32>
      %select_n3A_462 = arith.select %eq3A_456, %broadcast_in_dim3A_461, %select_n3A_420 : vector<16xi1>, vector<16xf32>
      %add3A_463 = arith.constant 4 : i32
      %add3A_464 = arith.addi %mul3A_297, %add3A_463 : i32
      %get3A_465 = arith.index_cast %add3A_464 : i32 to index
      %get3A_466 = arith.constant 0 : index
      %get3A_467 = tpu.vector_load %arg11[%get3A_465, %get3A_466] {strides = array<i32>} : memref<512x64xf32, #tpu.memory_space<vmem>>, vector<16xf32>,
      %get3A_468 = arith.index_cast %add3A_464 : i32 to index
      %get3A_469 = arith.constant 0 : index
      %get3A_470 = tpu.vector_load %arg12[%get3A_468, %get3A_469] {strides = array<i32>} : memref<512x64xf32, #tpu.memory_space<vmem>>, vector<16xf32>,
      %mul3A_471 = arith.mulf %get3A_467, %get3A_470 : vector<16xf32>
      %get3A_472 = arith.index_cast %add3A_464 : i32 to index
      %get3A_473 = arith.constant 16 : index
      %get3A_474 = tpu.vector_load %arg11[%get3A_472, %get3A_473] {strides = array<i32>} : memref<512x64xf32, #tpu.memory_space<vmem>>, vector<16xf32>,
      %get3A_475 = arith.index_cast %add3A_464 : i32 to index
      %get3A_476 = arith.constant 16 : index
      %get3A_477 = tpu.vector_load %arg12[%get3A_475, %get3A_476] {strides = array<i32>} : memref<512x64xf32, #tpu.memory_space<vmem>>, vector<16xf32>,
      %mul3A_478 = arith.mulf %get3A_474, %get3A_477 : vector<16xf32>
      %add3A_479 = arith.addf %mul3A_471, %mul3A_478 : vector<16xf32>
      %get3A_480 = arith.index_cast %add3A_464 : i32 to index
      %get3A_481 = arith.constant 32 : index
      %get3A_482 = tpu.vector_load %arg11[%get3A_480, %get3A_481] {strides = array<i32>} : memref<512x64xf32, #tpu.memory_space<vmem>>, vector<16xf32>,
      %get3A_483 = arith.index_cast %add3A_464 : i32 to index
      %get3A_484 = arith.constant 32 : index
      %get3A_485 = tpu.vector_load %arg12[%get3A_483, %get3A_484] {strides = array<i32>} : memref<512x64xf32, #tpu.memory_space<vmem>>, vector<16xf32>,
      %mul3A_486 = arith.mulf %get3A_482, %get3A_485 : vector<16xf32>
      %add3A_487 = arith.addf %add3A_479, %mul3A_486 : vector<16xf32>
      %get3A_488 = arith.index_cast %add3A_464 : i32 to index
      %get3A_489 = arith.constant 48 : index
      %get3A_490 = tpu.vector_load %arg11[%get3A_488, %get3A_489] {strides = array<i32>} : memref<512x64xf32, #tpu.memory_space<vmem>>, vector<16xf32>,
      %get3A_491 = arith.index_cast %add3A_464 : i32 to index
      %get3A_492 = arith.constant 48 : index
      %get3A_493 = tpu.vector_load %arg12[%get3A_491, %get3A_492] {strides = array<i32>} : memref<512x64xf32, #tpu.memory_space<vmem>>, vector<16xf32>,
      %mul3A_494 = arith.mulf %get3A_490, %get3A_493 : vector<16xf32>
      %add3A_495 = arith.addf %add3A_487, %mul3A_494 : vector<16xf32>
      %eq3A_496 = arith.constant 4 : i32
      %eq3A_497 = vector.broadcast %eq3A_496 : i32 to vector<16xi32>
      %eq3A_498 = arith.cmpi eq, %iota3A, %eq3A_497 : vector<16xi32>
      %reduce_sum3A_499 = arith.constant true
      %reduce_sum3A_500 = vector.broadcast %reduce_sum3A_499 : i1 to vector<16xi1>
      %reduce_sum3A_501 = tpu.scan <sum>, %add3A_495 masked %reduce_sum3A_500 : vector<16xf32>, vector<16xi1> -> vector<16xf32>
      %reduce_sum3A_502 = vector.extract %reduce_sum3A_501[15] : f32 from vector<16xf32>
      %broadcast_in_dim3A_503 = vector.broadcast %reduce_sum3A_502 : f32 to vector<16xf32>
      %select_n3A_504 = arith.select %eq3A_498, %broadcast_in_dim3A_503, %select_n3A_462 : vector<16xi1>, vector<16xf32>
      %add3A_505 = arith.constant 5 : i32
      %add3A_506 = arith.addi %mul3A_297, %add3A_505 : i32
      %get3A_507 = arith.index_cast %add3A_506 : i32 to index
      %get3A_508 = arith.constant 0 : index
      %get3A_509 = tpu.vector_load %arg11[%get3A_507, %get3A_508] {strides = array<i32>} : memref<512x64xf32, #tpu.memory_space<vmem>>, vector<16xf32>,
      %get3A_510 = arith.index_cast %add3A_506 : i32 to index
      %get3A_511 = arith.constant 0 : index
      %get3A_512 = tpu.vector_load %arg12[%get3A_510, %get3A_511] {strides = array<i32>} : memref<512x64xf32, #tpu.memory_space<vmem>>, vector<16xf32>,
      %mul3A_513 = arith.mulf %get3A_509, %get3A_512 : vector<16xf32>
      %get3A_514 = arith.index_cast %add3A_506 : i32 to index
      %get3A_515 = arith.constant 16 : index
      %get3A_516 = tpu.vector_load %arg11[%get3A_514, %get3A_515] {strides = array<i32>} : memref<512x64xf32, #tpu.memory_space<vmem>>, vector<16xf32>,
      %get3A_517 = arith.index_cast %add3A_506 : i32 to index
      %get3A_518 = arith.constant 16 : index
      %get3A_519 = tpu.vector_load %arg12[%get3A_517, %get3A_518] {strides = array<i32>} : memref<512x64xf32, #tpu.memory_space<vmem>>, vector<16xf32>,
      %mul3A_520 = arith.mulf %get3A_516, %get3A_519 : vector<16xf32>
      %add3A_521 = arith.addf %mul3A_513, %mul3A_520 : vector<16xf32>
      %get3A_522 = arith.index_cast %add3A_506 : i32 to index
      %get3A_523 = arith.constant 32 : index
      %get3A_524 = tpu.vector_load %arg11[%get3A_522, %get3A_523] {strides = array<i32>} : memref<512x64xf32, #tpu.memory_space<vmem>>, vector<16xf32>,
      %get3A_525 = arith.index_cast %add3A_506 : i32 to index
      %get3A_526 = arith.constant 32 : index
      %get3A_527 = tpu.vector_load %arg12[%get3A_525, %get3A_526] {strides = array<i32>} : memref<512x64xf32, #tpu.memory_space<vmem>>, vector<16xf32>,
      %mul3A_528 = arith.mulf %get3A_524, %get3A_527 : vector<16xf32>
      %add3A_529 = arith.addf %add3A_521, %mul3A_528 : vector<16xf32>
      %get3A_530 = arith.index_cast %add3A_506 : i32 to index
      %get3A_531 = arith.constant 48 : index
      %get3A_532 = tpu.vector_load %arg11[%get3A_530, %get3A_531] {strides = array<i32>} : memref<512x64xf32, #tpu.memory_space<vmem>>, vector<16xf32>,
      %get3A_533 = arith.index_cast %add3A_506 : i32 to index
      %get3A_534 = arith.constant 48 : index
      %get3A_535 = tpu.vector_load %arg12[%get3A_533, %get3A_534] {strides = array<i32>} : memref<512x64xf32, #tpu.memory_space<vmem>>, vector<16xf32>,
      %mul3A_536 = arith.mulf %get3A_532, %get3A_535 : vector<16xf32>
      %add3A_537 = arith.addf %add3A_529, %mul3A_536 : vector<16xf32>
      %eq3A_538 = arith.constant 5 : i32
      %eq3A_539 = vector.broadcast %eq3A_538 : i32 to vector<16xi32>
      %eq3A_540 = arith.cmpi eq, %iota3A, %eq3A_539 : vector<16xi32>
      %reduce_sum3A_541 = arith.constant true
      %reduce_sum3A_542 = vector.broadcast %reduce_sum3A_541 : i1 to vector<16xi1>
      %reduce_sum3A_543 = tpu.scan <sum>, %add3A_537 masked %reduce_sum3A_542 : vector<16xf32>, vector<16xi1> -> vector<16xf32>
      %reduce_sum3A_544 = vector.extract %reduce_sum3A_543[15] : f32 from vector<16xf32>
      %broadcast_in_dim3A_545 = vector.broadcast %reduce_sum3A_544 : f32 to vector<16xf32>
      %select_n3A_546 = arith.select %eq3A_540, %broadcast_in_dim3A_545, %select_n3A_504 : vector<16xi1>, vector<16xf32>
      %add3A_547 = arith.constant 6 : i32
      %add3A_548 = arith.addi %mul3A_297, %add3A_547 : i32
      %get3A_549 = arith.index_cast %add3A_548 : i32 to index
      %get3A_550 = arith.constant 0 : index
      %get3A_551 = tpu.vector_load %arg11[%get3A_549, %get3A_550] {strides = array<i32>} : memref<512x64xf32, #tpu.memory_space<vmem>>, vector<16xf32>,
      %get3A_552 = arith.index_cast %add3A_548 : i32 to index
      %get3A_553 = arith.constant 0 : index
      %get3A_554 = tpu.vector_load %arg12[%get3A_552, %get3A_553] {strides = array<i32>} : memref<512x64xf32, #tpu.memory_space<vmem>>, vector<16xf32>,
      %mul3A_555 = arith.mulf %get3A_551, %get3A_554 : vector<16xf32>
      %get3A_556 = arith.index_cast %add3A_548 : i32 to index
      %get3A_557 = arith.constant 16 : index
      %get3A_558 = tpu.vector_load %arg11[%get3A_556, %get3A_557] {strides = array<i32>} : memref<512x64xf32, #tpu.memory_space<vmem>>, vector<16xf32>,
      %get3A_559 = arith.index_cast %add3A_548 : i32 to index
      %get3A_560 = arith.constant 16 : index
      %get3A_561 = tpu.vector_load %arg12[%get3A_559, %get3A_560] {strides = array<i32>} : memref<512x64xf32, #tpu.memory_space<vmem>>, vector<16xf32>,
      %mul3A_562 = arith.mulf %get3A_558, %get3A_561 : vector<16xf32>
      %add3A_563 = arith.addf %mul3A_555, %mul3A_562 : vector<16xf32>
      %get3A_564 = arith.index_cast %add3A_548 : i32 to index
      %get3A_565 = arith.constant 32 : index
      %get3A_566 = tpu.vector_load %arg11[%get3A_564, %get3A_565] {strides = array<i32>} : memref<512x64xf32, #tpu.memory_space<vmem>>, vector<16xf32>,
      %get3A_567 = arith.index_cast %add3A_548 : i32 to index
      %get3A_568 = arith.constant 32 : index
      %get3A_569 = tpu.vector_load %arg12[%get3A_567, %get3A_568] {strides = array<i32>} : memref<512x64xf32, #tpu.memory_space<vmem>>, vector<16xf32>,
      %mul3A_570 = arith.mulf %get3A_566, %get3A_569 : vector<16xf32>
      %add3A_571 = arith.addf %add3A_563, %mul3A_570 : vector<16xf32>
      %get3A_572 = arith.index_cast %add3A_548 : i32 to index
      %get3A_573 = arith.constant 48 : index
      %get3A_574 = tpu.vector_load %arg11[%get3A_572, %get3A_573] {strides = array<i32>} : memref<512x64xf32, #tpu.memory_space<vmem>>, vector<16xf32>,
      %get3A_575 = arith.index_cast %add3A_548 : i32 to index
      %get3A_576 = arith.constant 48 : index
      %get3A_577 = tpu.vector_load %arg12[%get3A_575, %get3A_576] {strides = array<i32>} : memref<512x64xf32, #tpu.memory_space<vmem>>, vector<16xf32>,
      %mul3A_578 = arith.mulf %get3A_574, %get3A_577 : vector<16xf32>
      %add3A_579 = arith.addf %add3A_571, %mul3A_578 : vector<16xf32>
      %eq3A_580 = arith.constant 6 : i32
      %eq3A_581 = vector.broadcast %eq3A_580 : i32 to vector<16xi32>
      %eq3A_582 = arith.cmpi eq, %iota3A, %eq3A_581 : vector<16xi32>
      %reduce_sum3A_583 = arith.constant true
      %reduce_sum3A_584 = vector.broadcast %reduce_sum3A_583 : i1 to vector<16xi1>
      %reduce_sum3A_585 = tpu.scan <sum>, %add3A_579 masked %reduce_sum3A_584 : vector<16xf32>, vector<16xi1> -> vector<16xf32>
      %reduce_sum3A_586 = vector.extract %reduce_sum3A_585[15] : f32 from vector<16xf32>
      %broadcast_in_dim3A_587 = vector.broadcast %reduce_sum3A_586 : f32 to vector<16xf32>
      %select_n3A_588 = arith.select %eq3A_582, %broadcast_in_dim3A_587, %select_n3A_546 : vector<16xi1>, vector<16xf32>
      %add3A_589 = arith.constant 7 : i32
      %add3A_590 = arith.addi %mul3A_297, %add3A_589 : i32
      %get3A_591 = arith.index_cast %add3A_590 : i32 to index
      %get3A_592 = arith.constant 0 : index
      %get3A_593 = tpu.vector_load %arg11[%get3A_591, %get3A_592] {strides = array<i32>} : memref<512x64xf32, #tpu.memory_space<vmem>>, vector<16xf32>,
      %get3A_594 = arith.index_cast %add3A_590 : i32 to index
      %get3A_595 = arith.constant 0 : index
      %get3A_596 = tpu.vector_load %arg12[%get3A_594, %get3A_595] {strides = array<i32>} : memref<512x64xf32, #tpu.memory_space<vmem>>, vector<16xf32>,
      %mul3A_597 = arith.mulf %get3A_593, %get3A_596 : vector<16xf32>
      %get3A_598 = arith.index_cast %add3A_590 : i32 to index
      %get3A_599 = arith.constant 16 : index
      %get3A_600 = tpu.vector_load %arg11[%get3A_598, %get3A_599] {strides = array<i32>} : memref<512x64xf32, #tpu.memory_space<vmem>>, vector<16xf32>,
      %get3A_601 = arith.index_cast %add3A_590 : i32 to index
      %get3A_602 = arith.constant 16 : index
      %get3A_603 = tpu.vector_load %arg12[%get3A_601, %get3A_602] {strides = array<i32>} : memref<512x64xf32, #tpu.memory_space<vmem>>, vector<16xf32>,
      %mul3A_604 = arith.mulf %get3A_600, %get3A_603 : vector<16xf32>
      %add3A_605 = arith.addf %mul3A_597, %mul3A_604 : vector<16xf32>
      %get3A_606 = arith.index_cast %add3A_590 : i32 to index
      %get3A_607 = arith.constant 32 : index
      %get3A_608 = tpu.vector_load %arg11[%get3A_606, %get3A_607] {strides = array<i32>} : memref<512x64xf32, #tpu.memory_space<vmem>>, vector<16xf32>,
      %get3A_609 = arith.index_cast %add3A_590 : i32 to index
      %get3A_610 = arith.constant 32 : index
      %get3A_611 = tpu.vector_load %arg12[%get3A_609, %get3A_610] {strides = array<i32>} : memref<512x64xf32, #tpu.memory_space<vmem>>, vector<16xf32>,
      %mul3A_612 = arith.mulf %get3A_608, %get3A_611 : vector<16xf32>
      %add3A_613 = arith.addf %add3A_605, %mul3A_612 : vector<16xf32>
      %get3A_614 = arith.index_cast %add3A_590 : i32 to index
      %get3A_615 = arith.constant 48 : index
      %get3A_616 = tpu.vector_load %arg11[%get3A_614, %get3A_615] {strides = array<i32>} : memref<512x64xf32, #tpu.memory_space<vmem>>, vector<16xf32>,
      %get3A_617 = arith.index_cast %add3A_590 : i32 to index
      %get3A_618 = arith.constant 48 : index
      %get3A_619 = tpu.vector_load %arg12[%get3A_617, %get3A_618] {strides = array<i32>} : memref<512x64xf32, #tpu.memory_space<vmem>>, vector<16xf32>,
      %mul3A_620 = arith.mulf %get3A_616, %get3A_619 : vector<16xf32>
      %add3A_621 = arith.addf %add3A_613, %mul3A_620 : vector<16xf32>
      %eq3A_622 = arith.constant 7 : i32
      %eq3A_623 = vector.broadcast %eq3A_622 : i32 to vector<16xi32>
      %eq3A_624 = arith.cmpi eq, %iota3A, %eq3A_623 : vector<16xi32>
      %reduce_sum3A_625 = arith.constant true
      %reduce_sum3A_626 = vector.broadcast %reduce_sum3A_625 : i1 to vector<16xi1>
      %reduce_sum3A_627 = tpu.scan <sum>, %add3A_621 masked %reduce_sum3A_626 : vector<16xf32>, vector<16xi1> -> vector<16xf32>
      %reduce_sum3A_628 = vector.extract %reduce_sum3A_627[15] : f32 from vector<16xf32>
      %broadcast_in_dim3A_629 = vector.broadcast %reduce_sum3A_628 : f32 to vector<16xf32>
      %select_n3A_630 = arith.select %eq3A_624, %broadcast_in_dim3A_629, %select_n3A_588 : vector<16xi1>, vector<16xf32>
      %add3A_631 = arith.constant 8 : i32
      %add3A_632 = arith.addi %mul3A_297, %add3A_631 : i32
      %get3A_633 = arith.index_cast %add3A_632 : i32 to index
      %get3A_634 = arith.constant 0 : index
      %get3A_635 = tpu.vector_load %arg11[%get3A_633, %get3A_634] {strides = array<i32>} : memref<512x64xf32, #tpu.memory_space<vmem>>, vector<16xf32>,
      %get3A_636 = arith.index_cast %add3A_632 : i32 to index
      %get3A_637 = arith.constant 0 : index
      %get3A_638 = tpu.vector_load %arg12[%get3A_636, %get3A_637] {strides = array<i32>} : memref<512x64xf32, #tpu.memory_space<vmem>>, vector<16xf32>,
      %mul3A_639 = arith.mulf %get3A_635, %get3A_638 : vector<16xf32>
      %get3A_640 = arith.index_cast %add3A_632 : i32 to index
      %get3A_641 = arith.constant 16 : index
      %get3A_642 = tpu.vector_load %arg11[%get3A_640, %get3A_641] {strides = array<i32>} : memref<512x64xf32, #tpu.memory_space<vmem>>, vector<16xf32>,
      %get3A_643 = arith.index_cast %add3A_632 : i32 to index
      %get3A_644 = arith.constant 16 : index
      %get3A_645 = tpu.vector_load %arg12[%get3A_643, %get3A_644] {strides = array<i32>} : memref<512x64xf32, #tpu.memory_space<vmem>>, vector<16xf32>,
      %mul3A_646 = arith.mulf %get3A_642, %get3A_645 : vector<16xf32>
      %add3A_647 = arith.addf %mul3A_639, %mul3A_646 : vector<16xf32>
      %get3A_648 = arith.index_cast %add3A_632 : i32 to index
      %get3A_649 = arith.constant 32 : index
      %get3A_650 = tpu.vector_load %arg11[%get3A_648, %get3A_649] {strides = array<i32>} : memref<512x64xf32, #tpu.memory_space<vmem>>, vector<16xf32>,
      %get3A_651 = arith.index_cast %add3A_632 : i32 to index
      %get3A_652 = arith.constant 32 : index
      %get3A_653 = tpu.vector_load %arg12[%get3A_651, %get3A_652] {strides = array<i32>} : memref<512x64xf32, #tpu.memory_space<vmem>>, vector<16xf32>,
      %mul3A_654 = arith.mulf %get3A_650, %get3A_653 : vector<16xf32>
      %add3A_655 = arith.addf %add3A_647, %mul3A_654 : vector<16xf32>
      %get3A_656 = arith.index_cast %add3A_632 : i32 to index
      %get3A_657 = arith.constant 48 : index
      %get3A_658 = tpu.vector_load %arg11[%get3A_656, %get3A_657] {strides = array<i32>} : memref<512x64xf32, #tpu.memory_space<vmem>>, vector<16xf32>,
      %get3A_659 = arith.index_cast %add3A_632 : i32 to index
      %get3A_660 = arith.constant 48 : index
      %get3A_661 = tpu.vector_load %arg12[%get3A_659, %get3A_660] {strides = array<i32>} : memref<512x64xf32, #tpu.memory_space<vmem>>, vector<16xf32>,
      %mul3A_662 = arith.mulf %get3A_658, %get3A_661 : vector<16xf32>
      %add3A_663 = arith.addf %add3A_655, %mul3A_662 : vector<16xf32>
      %eq3A_664 = arith.constant 8 : i32
      %eq3A_665 = vector.broadcast %eq3A_664 : i32 to vector<16xi32>
      %eq3A_666 = arith.cmpi eq, %iota3A, %eq3A_665 : vector<16xi32>
      %reduce_sum3A_667 = arith.constant true
      %reduce_sum3A_668 = vector.broadcast %reduce_sum3A_667 : i1 to vector<16xi1>
      %reduce_sum3A_669 = tpu.scan <sum>, %add3A_663 masked %reduce_sum3A_668 : vector<16xf32>, vector<16xi1> -> vector<16xf32>
      %reduce_sum3A_670 = vector.extract %reduce_sum3A_669[15] : f32 from vector<16xf32>
      %broadcast_in_dim3A_671 = vector.broadcast %reduce_sum3A_670 : f32 to vector<16xf32>
      %select_n3A_672 = arith.select %eq3A_666, %broadcast_in_dim3A_671, %select_n3A_630 : vector<16xi1>, vector<16xf32>
      %add3A_673 = arith.constant 9 : i32
      %add3A_674 = arith.addi %mul3A_297, %add3A_673 : i32
      %get3A_675 = arith.index_cast %add3A_674 : i32 to index
      %get3A_676 = arith.constant 0 : index
      %get3A_677 = tpu.vector_load %arg11[%get3A_675, %get3A_676] {strides = array<i32>} : memref<512x64xf32, #tpu.memory_space<vmem>>, vector<16xf32>,
      %get3A_678 = arith.index_cast %add3A_674 : i32 to index
      %get3A_679 = arith.constant 0 : index
      %get3A_680 = tpu.vector_load %arg12[%get3A_678, %get3A_679] {strides = array<i32>} : memref<512x64xf32, #tpu.memory_space<vmem>>, vector<16xf32>,
      %mul3A_681 = arith.mulf %get3A_677, %get3A_680 : vector<16xf32>
      %get3A_682 = arith.index_cast %add3A_674 : i32 to index
      %get3A_683 = arith.constant 16 : index
      %get3A_684 = tpu.vector_load %arg11[%get3A_682, %get3A_683] {strides = array<i32>} : memref<512x64xf32, #tpu.memory_space<vmem>>, vector<16xf32>,
      %get3A_685 = arith.index_cast %add3A_674 : i32 to index
      %get3A_686 = arith.constant 16 : index
      %get3A_687 = tpu.vector_load %arg12[%get3A_685, %get3A_686] {strides = array<i32>} : memref<512x64xf32, #tpu.memory_space<vmem>>, vector<16xf32>,
      %mul3A_688 = arith.mulf %get3A_684, %get3A_687 : vector<16xf32>
      %add3A_689 = arith.addf %mul3A_681, %mul3A_688 : vector<16xf32>
      %get3A_690 = arith.index_cast %add3A_674 : i32 to index
      %get3A_691 = arith.constant 32 : index
      %get3A_692 = tpu.vector_load %arg11[%get3A_690, %get3A_691] {strides = array<i32>} : memref<512x64xf32, #tpu.memory_space<vmem>>, vector<16xf32>,
      %get3A_693 = arith.index_cast %add3A_674 : i32 to index
      %get3A_694 = arith.constant 32 : index
      %get3A_695 = tpu.vector_load %arg12[%get3A_693, %get3A_694] {strides = array<i32>} : memref<512x64xf32, #tpu.memory_space<vmem>>, vector<16xf32>,
      %mul3A_696 = arith.mulf %get3A_692, %get3A_695 : vector<16xf32>
      %add3A_697 = arith.addf %add3A_689, %mul3A_696 : vector<16xf32>
      %get3A_698 = arith.index_cast %add3A_674 : i32 to index
      %get3A_699 = arith.constant 48 : index
      %get3A_700 = tpu.vector_load %arg11[%get3A_698, %get3A_699] {strides = array<i32>} : memref<512x64xf32, #tpu.memory_space<vmem>>, vector<16xf32>,
      %get3A_701 = arith.index_cast %add3A_674 : i32 to index
      %get3A_702 = arith.constant 48 : index
      %get3A_703 = tpu.vector_load %arg12[%get3A_701, %get3A_702] {strides = array<i32>} : memref<512x64xf32, #tpu.memory_space<vmem>>, vector<16xf32>,
      %mul3A_704 = arith.mulf %get3A_700, %get3A_703 : vector<16xf32>
      %add3A_705 = arith.addf %add3A_697, %mul3A_704 : vector<16xf32>
      %eq3A_706 = arith.constant 9 : i32
      %eq3A_707 = vector.broadcast %eq3A_706 : i32 to vector<16xi32>
      %eq3A_708 = arith.cmpi eq, %iota3A, %eq3A_707 : vector<16xi32>
      %reduce_sum3A_709 = arith.constant true
      %reduce_sum3A_710 = vector.broadcast %reduce_sum3A_709 : i1 to vector<16xi1>
      %reduce_sum3A_711 = tpu.scan <sum>, %add3A_705 masked %reduce_sum3A_710 : vector<16xf32>, vector<16xi1> -> vector<16xf32>
      %reduce_sum3A_712 = vector.extract %reduce_sum3A_711[15] : f32 from vector<16xf32>
      %broadcast_in_dim3A_713 = vector.broadcast %reduce_sum3A_712 : f32 to vector<16xf32>
      %select_n3A_714 = arith.select %eq3A_708, %broadcast_in_dim3A_713, %select_n3A_672 : vector<16xi1>, vector<16xf32>
      %add3A_715 = arith.constant 10 : i32
      %add3A_716 = arith.addi %mul3A_297, %add3A_715 : i32
      %get3A_717 = arith.index_cast %add3A_716 : i32 to index
      %get3A_718 = arith.constant 0 : index
      %get3A_719 = tpu.vector_load %arg11[%get3A_717, %get3A_718] {strides = array<i32>} : memref<512x64xf32, #tpu.memory_space<vmem>>, vector<16xf32>,
      %get3A_720 = arith.index_cast %add3A_716 : i32 to index
      %get3A_721 = arith.constant 0 : index
      %get3A_722 = tpu.vector_load %arg12[%get3A_720, %get3A_721] {strides = array<i32>} : memref<512x64xf32, #tpu.memory_space<vmem>>, vector<16xf32>,
      %mul3A_723 = arith.mulf %get3A_719, %get3A_722 : vector<16xf32>
      %get3A_724 = arith.index_cast %add3A_716 : i32 to index
      %get3A_725 = arith.constant 16 : index
      %get3A_726 = tpu.vector_load %arg11[%get3A_724, %get3A_725] {strides = array<i32>} : memref<512x64xf32, #tpu.memory_space<vmem>>, vector<16xf32>,
      %get3A_727 = arith.index_cast %add3A_716 : i32 to index
      %get3A_728 = arith.constant 16 : index
      %get3A_729 = tpu.vector_load %arg12[%get3A_727, %get3A_728] {strides = array<i32>} : memref<512x64xf32, #tpu.memory_space<vmem>>, vector<16xf32>,
      %mul3A_730 = arith.mulf %get3A_726, %get3A_729 : vector<16xf32>
      %add3A_731 = arith.addf %mul3A_723, %mul3A_730 : vector<16xf32>
      %get3A_732 = arith.index_cast %add3A_716 : i32 to index
      %get3A_733 = arith.constant 32 : index
      %get3A_734 = tpu.vector_load %arg11[%get3A_732, %get3A_733] {strides = array<i32>} : memref<512x64xf32, #tpu.memory_space<vmem>>, vector<16xf32>,
      %get3A_735 = arith.index_cast %add3A_716 : i32 to index
      %get3A_736 = arith.constant 32 : index
      %get3A_737 = tpu.vector_load %arg12[%get3A_735, %get3A_736] {strides = array<i32>} : memref<512x64xf32, #tpu.memory_space<vmem>>, vector<16xf32>,
      %mul3A_738 = arith.mulf %get3A_734, %get3A_737 : vector<16xf32>
      %add3A_739 = arith.addf %add3A_731, %mul3A_738 : vector<16xf32>
      %get3A_740 = arith.index_cast %add3A_716 : i32 to index
      %get3A_741 = arith.constant 48 : index
      %get3A_742 = tpu.vector_load %arg11[%get3A_740, %get3A_741] {strides = array<i32>} : memref<512x64xf32, #tpu.memory_space<vmem>>, vector<16xf32>,
      %get3A_743 = arith.index_cast %add3A_716 : i32 to index
      %get3A_744 = arith.constant 48 : index
      %get3A_745 = tpu.vector_load %arg12[%get3A_743, %get3A_744] {strides = array<i32>} : memref<512x64xf32, #tpu.memory_space<vmem>>, vector<16xf32>,
      %mul3A_746 = arith.mulf %get3A_742, %get3A_745 : vector<16xf32>
      %add3A_747 = arith.addf %add3A_739, %mul3A_746 : vector<16xf32>
      %eq3A_748 = arith.constant 10 : i32
      %eq3A_749 = vector.broadcast %eq3A_748 : i32 to vector<16xi32>
      %eq3A_750 = arith.cmpi eq, %iota3A, %eq3A_749 : vector<16xi32>
      %reduce_sum3A_751 = arith.constant true
      %reduce_sum3A_752 = vector.broadcast %reduce_sum3A_751 : i1 to vector<16xi1>
      %reduce_sum3A_753 = tpu.scan <sum>, %add3A_747 masked %reduce_sum3A_752 : vector<16xf32>, vector<16xi1> -> vector<16xf32>
      %reduce_sum3A_754 = vector.extract %reduce_sum3A_753[15] : f32 from vector<16xf32>
      %broadcast_in_dim3A_755 = vector.broadcast %reduce_sum3A_754 : f32 to vector<16xf32>
      %select_n3A_756 = arith.select %eq3A_750, %broadcast_in_dim3A_755, %select_n3A_714 : vector<16xi1>, vector<16xf32>
      %add3A_757 = arith.constant 11 : i32
      %add3A_758 = arith.addi %mul3A_297, %add3A_757 : i32
      %get3A_759 = arith.index_cast %add3A_758 : i32 to index
      %get3A_760 = arith.constant 0 : index
      %get3A_761 = tpu.vector_load %arg11[%get3A_759, %get3A_760] {strides = array<i32>} : memref<512x64xf32, #tpu.memory_space<vmem>>, vector<16xf32>,
      %get3A_762 = arith.index_cast %add3A_758 : i32 to index
      %get3A_763 = arith.constant 0 : index
      %get3A_764 = tpu.vector_load %arg12[%get3A_762, %get3A_763] {strides = array<i32>} : memref<512x64xf32, #tpu.memory_space<vmem>>, vector<16xf32>,
      %mul3A_765 = arith.mulf %get3A_761, %get3A_764 : vector<16xf32>
      %get3A_766 = arith.index_cast %add3A_758 : i32 to index
      %get3A_767 = arith.constant 16 : index
      %get3A_768 = tpu.vector_load %arg11[%get3A_766, %get3A_767] {strides = array<i32>} : memref<512x64xf32, #tpu.memory_space<vmem>>, vector<16xf32>,
      %get3A_769 = arith.index_cast %add3A_758 : i32 to index
      %get3A_770 = arith.constant 16 : index
      %get3A_771 = tpu.vector_load %arg12[%get3A_769, %get3A_770] {strides = array<i32>} : memref<512x64xf32, #tpu.memory_space<vmem>>, vector<16xf32>,
      %mul3A_772 = arith.mulf %get3A_768, %get3A_771 : vector<16xf32>
      %add3A_773 = arith.addf %mul3A_765, %mul3A_772 : vector<16xf32>
      %get3A_774 = arith.index_cast %add3A_758 : i32 to index
      %get3A_775 = arith.constant 32 : index
      %get3A_776 = tpu.vector_load %arg11[%get3A_774, %get3A_775] {strides = array<i32>} : memref<512x64xf32, #tpu.memory_space<vmem>>, vector<16xf32>,
      %get3A_777 = arith.index_cast %add3A_758 : i32 to index
      %get3A_778 = arith.constant 32 : index
      %get3A_779 = tpu.vector_load %arg12[%get3A_777, %get3A_778] {strides = array<i32>} : memref<512x64xf32, #tpu.memory_space<vmem>>, vector<16xf32>,
      %mul3A_780 = arith.mulf %get3A_776, %get3A_779 : vector<16xf32>
      %add3A_781 = arith.addf %add3A_773, %mul3A_780 : vector<16xf32>
      %get3A_782 = arith.index_cast %add3A_758 : i32 to index
      %get3A_783 = arith.constant 48 : index
      %get3A_784 = tpu.vector_load %arg11[%get3A_782, %get3A_783] {strides = array<i32>} : memref<512x64xf32, #tpu.memory_space<vmem>>, vector<16xf32>,
      %get3A_785 = arith.index_cast %add3A_758 : i32 to index
      %get3A_786 = arith.constant 48 : index
      %get3A_787 = tpu.vector_load %arg12[%get3A_785, %get3A_786] {strides = array<i32>} : memref<512x64xf32, #tpu.memory_space<vmem>>, vector<16xf32>,
      %mul3A_788 = arith.mulf %get3A_784, %get3A_787 : vector<16xf32>
      %add3A_789 = arith.addf %add3A_781, %mul3A_788 : vector<16xf32>
      %eq3A_790 = arith.constant 11 : i32
      %eq3A_791 = vector.broadcast %eq3A_790 : i32 to vector<16xi32>
      %eq3A_792 = arith.cmpi eq, %iota3A, %eq3A_791 : vector<16xi32>
      %reduce_sum3A_793 = arith.constant true
      %reduce_sum3A_794 = vector.broadcast %reduce_sum3A_793 : i1 to vector<16xi1>
      %reduce_sum3A_795 = tpu.scan <sum>, %add3A_789 masked %reduce_sum3A_794 : vector<16xf32>, vector<16xi1> -> vector<16xf32>
      %reduce_sum3A_796 = vector.extract %reduce_sum3A_795[15] : f32 from vector<16xf32>
      %broadcast_in_dim3A_797 = vector.broadcast %reduce_sum3A_796 : f32 to vector<16xf32>
      %select_n3A_798 = arith.select %eq3A_792, %broadcast_in_dim3A_797, %select_n3A_756 : vector<16xi1>, vector<16xf32>
      %add3A_799 = arith.constant 12 : i32
      %add3A_800 = arith.addi %mul3A_297, %add3A_799 : i32
      %get3A_801 = arith.index_cast %add3A_800 : i32 to index
      %get3A_802 = arith.constant 0 : index
      %get3A_803 = tpu.vector_load %arg11[%get3A_801, %get3A_802] {strides = array<i32>} : memref<512x64xf32, #tpu.memory_space<vmem>>, vector<16xf32>,
      %get3A_804 = arith.index_cast %add3A_800 : i32 to index
      %get3A_805 = arith.constant 0 : index
      %get3A_806 = tpu.vector_load %arg12[%get3A_804, %get3A_805] {strides = array<i32>} : memref<512x64xf32, #tpu.memory_space<vmem>>, vector<16xf32>,
      %mul3A_807 = arith.mulf %get3A_803, %get3A_806 : vector<16xf32>
      %get3A_808 = arith.index_cast %add3A_800 : i32 to index
      %get3A_809 = arith.constant 16 : index
      %get3A_810 = tpu.vector_load %arg11[%get3A_808, %get3A_809] {strides = array<i32>} : memref<512x64xf32, #tpu.memory_space<vmem>>, vector<16xf32>,
      %get3A_811 = arith.index_cast %add3A_800 : i32 to index
      %get3A_812 = arith.constant 16 : index
      %get3A_813 = tpu.vector_load %arg12[%get3A_811, %get3A_812] {strides = array<i32>} : memref<512x64xf32, #tpu.memory_space<vmem>>, vector<16xf32>,
      %mul3A_814 = arith.mulf %get3A_810, %get3A_813 : vector<16xf32>
      %add3A_815 = arith.addf %mul3A_807, %mul3A_814 : vector<16xf32>
      %get3A_816 = arith.index_cast %add3A_800 : i32 to index
      %get3A_817 = arith.constant 32 : index
      %get3A_818 = tpu.vector_load %arg11[%get3A_816, %get3A_817] {strides = array<i32>} : memref<512x64xf32, #tpu.memory_space<vmem>>, vector<16xf32>,
      %get3A_819 = arith.index_cast %add3A_800 : i32 to index
      %get3A_820 = arith.constant 32 : index
      %get3A_821 = tpu.vector_load %arg12[%get3A_819, %get3A_820] {strides = array<i32>} : memref<512x64xf32, #tpu.memory_space<vmem>>, vector<16xf32>,
      %mul3A_822 = arith.mulf %get3A_818, %get3A_821 : vector<16xf32>
      %add3A_823 = arith.addf %add3A_815, %mul3A_822 : vector<16xf32>
      %get3A_824 = arith.index_cast %add3A_800 : i32 to index
      %get3A_825 = arith.constant 48 : index
      %get3A_826 = tpu.vector_load %arg11[%get3A_824, %get3A_825] {strides = array<i32>} : memref<512x64xf32, #tpu.memory_space<vmem>>, vector<16xf32>,
      %get3A_827 = arith.index_cast %add3A_800 : i32 to index
      %get3A_828 = arith.constant 48 : index
      %get3A_829 = tpu.vector_load %arg12[%get3A_827, %get3A_828] {strides = array<i32>} : memref<512x64xf32, #tpu.memory_space<vmem>>, vector<16xf32>,
      %mul3A_830 = arith.mulf %get3A_826, %get3A_829 : vector<16xf32>
      %add3A_831 = arith.addf %add3A_823, %mul3A_830 : vector<16xf32>
      %eq3A_832 = arith.constant 12 : i32
      %eq3A_833 = vector.broadcast %eq3A_832 : i32 to vector<16xi32>
      %eq3A_834 = arith.cmpi eq, %iota3A, %eq3A_833 : vector<16xi32>
      %reduce_sum3A_835 = arith.constant true
      %reduce_sum3A_836 = vector.broadcast %reduce_sum3A_835 : i1 to vector<16xi1>
      %reduce_sum3A_837 = tpu.scan <sum>, %add3A_831 masked %reduce_sum3A_836 : vector<16xf32>, vector<16xi1> -> vector<16xf32>
      %reduce_sum3A_838 = vector.extract %reduce_sum3A_837[15] : f32 from vector<16xf32>
      %broadcast_in_dim3A_839 = vector.broadcast %reduce_sum3A_838 : f32 to vector<16xf32>
      %select_n3A_840 = arith.select %eq3A_834, %broadcast_in_dim3A_839, %select_n3A_798 : vector<16xi1>, vector<16xf32>
      %add3A_841 = arith.constant 13 : i32
      %add3A_842 = arith.addi %mul3A_297, %add3A_841 : i32
      %get3A_843 = arith.index_cast %add3A_842 : i32 to index
      %get3A_844 = arith.constant 0 : index
      %get3A_845 = tpu.vector_load %arg11[%get3A_843, %get3A_844] {strides = array<i32>} : memref<512x64xf32, #tpu.memory_space<vmem>>, vector<16xf32>,
      %get3A_846 = arith.index_cast %add3A_842 : i32 to index
      %get3A_847 = arith.constant 0 : index
      %get3A_848 = tpu.vector_load %arg12[%get3A_846, %get3A_847] {strides = array<i32>} : memref<512x64xf32, #tpu.memory_space<vmem>>, vector<16xf32>,
      %mul3A_849 = arith.mulf %get3A_845, %get3A_848 : vector<16xf32>
      %get3A_850 = arith.index_cast %add3A_842 : i32 to index
      %get3A_851 = arith.constant 16 : index
      %get3A_852 = tpu.vector_load %arg11[%get3A_850, %get3A_851] {strides = array<i32>} : memref<512x64xf32, #tpu.memory_space<vmem>>, vector<16xf32>,
      %get3A_853 = arith.index_cast %add3A_842 : i32 to index
      %get3A_854 = arith.constant 16 : index
      %get3A_855 = tpu.vector_load %arg12[%get3A_853, %get3A_854] {strides = array<i32>} : memref<512x64xf32, #tpu.memory_space<vmem>>, vector<16xf32>,
      %mul3A_856 = arith.mulf %get3A_852, %get3A_855 : vector<16xf32>
      %add3A_857 = arith.addf %mul3A_849, %mul3A_856 : vector<16xf32>
      %get3A_858 = arith.index_cast %add3A_842 : i32 to index
      %get3A_859 = arith.constant 32 : index
      %get3A_860 = tpu.vector_load %arg11[%get3A_858, %get3A_859] {strides = array<i32>} : memref<512x64xf32, #tpu.memory_space<vmem>>, vector<16xf32>,
      %get3A_861 = arith.index_cast %add3A_842 : i32 to index
      %get3A_862 = arith.constant 32 : index
      %get3A_863 = tpu.vector_load %arg12[%get3A_861, %get3A_862] {strides = array<i32>} : memref<512x64xf32, #tpu.memory_space<vmem>>, vector<16xf32>,
      %mul3A_864 = arith.mulf %get3A_860, %get3A_863 : vector<16xf32>
      %add3A_865 = arith.addf %add3A_857, %mul3A_864 : vector<16xf32>
      %get3A_866 = arith.index_cast %add3A_842 : i32 to index
      %get3A_867 = arith.constant 48 : index
      %get3A_868 = tpu.vector_load %arg11[%get3A_866, %get3A_867] {strides = array<i32>} : memref<512x64xf32, #tpu.memory_space<vmem>>, vector<16xf32>,
      %get3A_869 = arith.index_cast %add3A_842 : i32 to index
      %get3A_870 = arith.constant 48 : index
      %get3A_871 = tpu.vector_load %arg12[%get3A_869, %get3A_870] {strides = array<i32>} : memref<512x64xf32, #tpu.memory_space<vmem>>, vector<16xf32>,
      %mul3A_872 = arith.mulf %get3A_868, %get3A_871 : vector<16xf32>
      %add3A_873 = arith.addf %add3A_865, %mul3A_872 : vector<16xf32>
      %eq3A_874 = arith.constant 13 : i32
      %eq3A_875 = vector.broadcast %eq3A_874 : i32 to vector<16xi32>
      %eq3A_876 = arith.cmpi eq, %iota3A, %eq3A_875 : vector<16xi32>
      %reduce_sum3A_877 = arith.constant true
      %reduce_sum3A_878 = vector.broadcast %reduce_sum3A_877 : i1 to vector<16xi1>
      %reduce_sum3A_879 = tpu.scan <sum>, %add3A_873 masked %reduce_sum3A_878 : vector<16xf32>, vector<16xi1> -> vector<16xf32>
      %reduce_sum3A_880 = vector.extract %reduce_sum3A_879[15] : f32 from vector<16xf32>
      %broadcast_in_dim3A_881 = vector.broadcast %reduce_sum3A_880 : f32 to vector<16xf32>
      %select_n3A_882 = arith.select %eq3A_876, %broadcast_in_dim3A_881, %select_n3A_840 : vector<16xi1>, vector<16xf32>
      %add3A_883 = arith.constant 14 : i32
      %add3A_884 = arith.addi %mul3A_297, %add3A_883 : i32
      %get3A_885 = arith.index_cast %add3A_884 : i32 to index
      %get3A_886 = arith.constant 0 : index
      %get3A_887 = tpu.vector_load %arg11[%get3A_885, %get3A_886] {strides = array<i32>} : memref<512x64xf32, #tpu.memory_space<vmem>>, vector<16xf32>,
      %get3A_888 = arith.index_cast %add3A_884 : i32 to index
      %get3A_889 = arith.constant 0 : index
      %get3A_890 = tpu.vector_load %arg12[%get3A_888, %get3A_889] {strides = array<i32>} : memref<512x64xf32, #tpu.memory_space<vmem>>, vector<16xf32>,
      %mul3A_891 = arith.mulf %get3A_887, %get3A_890 : vector<16xf32>
      %get3A_892 = arith.index_cast %add3A_884 : i32 to index
      %get3A_893 = arith.constant 16 : index
      %get3A_894 = tpu.vector_load %arg11[%get3A_892, %get3A_893] {strides = array<i32>} : memref<512x64xf32, #tpu.memory_space<vmem>>, vector<16xf32>,
      %get3A_895 = arith.index_cast %add3A_884 : i32 to index
      %get3A_896 = arith.constant 16 : index
      %get3A_897 = tpu.vector_load %arg12[%get3A_895, %get3A_896] {strides = array<i32>} : memref<512x64xf32, #tpu.memory_space<vmem>>, vector<16xf32>,
      %mul3A_898 = arith.mulf %get3A_894, %get3A_897 : vector<16xf32>
      %add3A_899 = arith.addf %mul3A_891, %mul3A_898 : vector<16xf32>
      %get3A_900 = arith.index_cast %add3A_884 : i32 to index
      %get3A_901 = arith.constant 32 : index
      %get3A_902 = tpu.vector_load %arg11[%get3A_900, %get3A_901] {strides = array<i32>} : memref<512x64xf32, #tpu.memory_space<vmem>>, vector<16xf32>,
      %get3A_903 = arith.index_cast %add3A_884 : i32 to index
      %get3A_904 = arith.constant 32 : index
      %get3A_905 = tpu.vector_load %arg12[%get3A_903, %get3A_904] {strides = array<i32>} : memref<512x64xf32, #tpu.memory_space<vmem>>, vector<16xf32>,
      %mul3A_906 = arith.mulf %get3A_902, %get3A_905 : vector<16xf32>
      %add3A_907 = arith.addf %add3A_899, %mul3A_906 : vector<16xf32>
      %get3A_908 = arith.index_cast %add3A_884 : i32 to index
      %get3A_909 = arith.constant 48 : index
      %get3A_910 = tpu.vector_load %arg11[%get3A_908, %get3A_909] {strides = array<i32>} : memref<512x64xf32, #tpu.memory_space<vmem>>, vector<16xf32>,
      %get3A_911 = arith.index_cast %add3A_884 : i32 to index
      %get3A_912 = arith.constant 48 : index
      %get3A_913 = tpu.vector_load %arg12[%get3A_911, %get3A_912] {strides = array<i32>} : memref<512x64xf32, #tpu.memory_space<vmem>>, vector<16xf32>,
      %mul3A_914 = arith.mulf %get3A_910, %get3A_913 : vector<16xf32>
      %add3A_915 = arith.addf %add3A_907, %mul3A_914 : vector<16xf32>
      %eq3A_916 = arith.constant 14 : i32
      %eq3A_917 = vector.broadcast %eq3A_916 : i32 to vector<16xi32>
      %eq3A_918 = arith.cmpi eq, %iota3A, %eq3A_917 : vector<16xi32>
      %reduce_sum3A_919 = arith.constant true
      %reduce_sum3A_920 = vector.broadcast %reduce_sum3A_919 : i1 to vector<16xi1>
      %reduce_sum3A_921 = tpu.scan <sum>, %add3A_915 masked %reduce_sum3A_920 : vector<16xf32>, vector<16xi1> -> vector<16xf32>
      %reduce_sum3A_922 = vector.extract %reduce_sum3A_921[15] : f32 from vector<16xf32>
      %broadcast_in_dim3A_923 = vector.broadcast %reduce_sum3A_922 : f32 to vector<16xf32>
      %select_n3A_924 = arith.select %eq3A_918, %broadcast_in_dim3A_923, %select_n3A_882 : vector<16xi1>, vector<16xf32>
      %add3A_925 = arith.constant 15 : i32
      %add3A_926 = arith.addi %mul3A_297, %add3A_925 : i32
      %get3A_927 = arith.index_cast %add3A_926 : i32 to index
      %get3A_928 = arith.constant 0 : index
      %get3A_929 = tpu.vector_load %arg11[%get3A_927, %get3A_928] {strides = array<i32>} : memref<512x64xf32, #tpu.memory_space<vmem>>, vector<16xf32>,
      %get3A_930 = arith.index_cast %add3A_926 : i32 to index
      %get3A_931 = arith.constant 0 : index
      %get3A_932 = tpu.vector_load %arg12[%get3A_930, %get3A_931] {strides = array<i32>} : memref<512x64xf32, #tpu.memory_space<vmem>>, vector<16xf32>,
      %mul3A_933 = arith.mulf %get3A_929, %get3A_932 : vector<16xf32>
      %get3A_934 = arith.index_cast %add3A_926 : i32 to index
      %get3A_935 = arith.constant 16 : index
      %get3A_936 = tpu.vector_load %arg11[%get3A_934, %get3A_935] {strides = array<i32>} : memref<512x64xf32, #tpu.memory_space<vmem>>, vector<16xf32>,
      %get3A_937 = arith.index_cast %add3A_926 : i32 to index
      %get3A_938 = arith.constant 16 : index
      %get3A_939 = tpu.vector_load %arg12[%get3A_937, %get3A_938] {strides = array<i32>} : memref<512x64xf32, #tpu.memory_space<vmem>>, vector<16xf32>,
      %mul3A_940 = arith.mulf %get3A_936, %get3A_939 : vector<16xf32>
      %add3A_941 = arith.addf %mul3A_933, %mul3A_940 : vector<16xf32>
      %get3A_942 = arith.index_cast %add3A_926 : i32 to index
      %get3A_943 = arith.constant 32 : index
      %get3A_944 = tpu.vector_load %arg11[%get3A_942, %get3A_943] {strides = array<i32>} : memref<512x64xf32, #tpu.memory_space<vmem>>, vector<16xf32>,
      %get3A_945 = arith.index_cast %add3A_926 : i32 to index
      %get3A_946 = arith.constant 32 : index
      %get3A_947 = tpu.vector_load %arg12[%get3A_945, %get3A_946] {strides = array<i32>} : memref<512x64xf32, #tpu.memory_space<vmem>>, vector<16xf32>,
      %mul3A_948 = arith.mulf %get3A_944, %get3A_947 : vector<16xf32>
      %add3A_949 = arith.addf %add3A_941, %mul3A_948 : vector<16xf32>
      %get3A_950 = arith.index_cast %add3A_926 : i32 to index
      %get3A_951 = arith.constant 48 : index
      %get3A_952 = tpu.vector_load %arg11[%get3A_950, %get3A_951] {strides = array<i32>} : memref<512x64xf32, #tpu.memory_space<vmem>>, vector<16xf32>,
      %get3A_953 = arith.index_cast %add3A_926 : i32 to index
      %get3A_954 = arith.constant 48 : index
      %get3A_955 = tpu.vector_load %arg12[%get3A_953, %get3A_954] {strides = array<i32>} : memref<512x64xf32, #tpu.memory_space<vmem>>, vector<16xf32>,
      %mul3A_956 = arith.mulf %get3A_952, %get3A_955 : vector<16xf32>
      %add3A_957 = arith.addf %add3A_949, %mul3A_956 : vector<16xf32>
      %eq3A_958 = arith.constant 15 : i32
      %eq3A_959 = vector.broadcast %eq3A_958 : i32 to vector<16xi32>
      %eq3A_960 = arith.cmpi eq, %iota3A, %eq3A_959 : vector<16xi32>
      %reduce_sum3A_961 = arith.constant true
      %reduce_sum3A_962 = vector.broadcast %reduce_sum3A_961 : i1 to vector<16xi1>
      %reduce_sum3A_963 = tpu.scan <sum>, %add3A_957 masked %reduce_sum3A_962 : vector<16xf32>, vector<16xi1> -> vector<16xf32>
      %reduce_sum3A_964 = vector.extract %reduce_sum3A_963[15] : f32 from vector<16xf32>
      %broadcast_in_dim3A_965 = vector.broadcast %reduce_sum3A_964 : f32 to vector<16xf32>
      %select_n3A_966 = arith.select %eq3A_960, %broadcast_in_dim3A_965, %select_n3A_924 : vector<16xi1>, vector<16xf32>
      %get3A_967 = arith.index_cast %mul3A_297 : i32 to index
      %get3A_968 = tpu.vector_load %arg13[%get3A_967] {strides = array<i32>} : memref<512xf32, #tpu.memory_space<vmem>>, vector<16xf32>,
      %add3A_969 = arith.addf %select_n3A_966, %get3A_968 : vector<16xf32>
      %get3A_970 = arith.index_cast %mul3A_297 : i32 to index
      %get3A_971 = tpu.vector_load %arg14[%get3A_970] {strides = array<i32>} : memref<512xf32, #tpu.memory_space<vmem>>, vector<16xf32>,
      %add3A_972 = arith.addf %add3A_969, %get3A_971 : vector<16xf32>
      %swap3A = arith.index_cast %mul3A_297 : i32 to index
      %swap3A_973 = tpu.vector_load %arg15[%swap3A] {strides = array<i32>} : memref<512xf32, #tpu.memory_space<vmem>>, vector<16xf32>,
      tpu.vector_store %arg15[%swap3A], %add3A_972 {strides = array<i32>} : memref<512xf32, #tpu.memory_space<vmem>>, vector<16xf32>,
    }
    %scan3A_292 = arith.constant 32 : i32
    %mul3A_293 = arith.constant 512 : i32
    %mul3A_294 = arith.muli %add3A, %mul3A_293 : i32
    "tpu.region"() ({
      %run_scoped3A = tpu.sem_alloc : memref<!tpu.dma_semaphore, #tpu.memory_space<semaphore_mem>>
      %dma_start3A_295 = tpu.memref_slice %arg8[%mul3A_294] : memref<16384xf32, #tpu.memory_space<hbm>> -> memref<512xf32, #tpu.memory_space<hbm>>
      %dma_start3A_296 = tpu.memref_slice %arg8[%mul3A_294] : memref<16384xf32, #tpu.memory_space<hbm>> -> memref<512xf32, #tpu.memory_space<hbm>>
      tpu.enqueue_dma source(%arg15 : memref<512xf32, #tpu.memory_space<vmem>>) target(%dma_start3A_296 : memref<512xf32, #tpu.memory_space<hbm>>) target_semaphore(%run_scoped3A : memref<!tpu.dma_semaphore, #tpu.memory_space<semaphore_mem>>)
      %dma_wait3A_297 = tpu.memref_slice %arg8[%mul3A_294] : memref<16384xf32, #tpu.memory_space<hbm>> -> memref<512xf32, #tpu.memory_space<hbm>>
      %dma_wait3A_298 = tpu.memref_slice %arg8[%mul3A_294] : memref<16384xf32, #tpu.memory_space<hbm>> -> memref<512xf32, #tpu.memory_space<hbm>>
      tpu.wait_dma2 semaphore(%run_scoped3A : memref<!tpu.dma_semaphore, #tpu.memory_space<semaphore_mem>>) src(%arg15 : memref<512xf32, #tpu.memory_space<vmem>>) dst(%dma_wait3A_298 : memref<512xf32, #tpu.memory_space<hbm>>)
      tpu.yield
    }) : () -> ()
    return
  }
}

</mosaic_0001>

<sc_bundles>
// kernel: _sc_call.3.cloned.1.call-start
scs
__scs_entry_jumppad:
0x0: {  	(pc) =	sbr.rel $0x88, $3  }
0x1: {  	(tag) =	ssettag $0x0;
	lr =	simm.s32 $0x1  }
0x2: {  	[smem:$0x3F9B] =	sst lr;
	_ =	strace $0xD0000000  }
0x3: {  	_ = 	snop  }
0x4: {  	_ = 	snop  }
0x5: {  	_ = 	snop  }
0x6: {  	_ = 	snop  }
0x7: {  	_ = 	snop  }
__scs_overlays_trampoline_lowered:
0x8: {  	[smem:$0x3FAA] =	sst s0  }
0x9: {  	[smem:$0x3FAB] =	sst s1  }
0xa: {  	[smem:$0x3FAC] =	sst s2  }
0xb: {  	[smem:$0x3FAD] =	sst s3  }
0xc: {  	[smem:$0x3FAE] =	sst s4  }
0xd: {  	[smem:$0x3FAF] =	sst s5  }
0xe: {  	[smem:$0x3FB0] =	sst s6  }
0xf: {  	[smem:$0x3FB1] =	sst s7  }
0x10: {  	[smem:$0x3FB2] =	sst s8  }
0x11: {  	[smem:$0x3FB3] =	sst s9;
	s0 =	simm.s32 @!p0 $0x0  }
0x12: {  	s1 =	sld [smem:$0x3F99];
	s0 =	simm.s32 @p0 $0x1  }
0x13: {  	[smem:$0x3FB4] =	sst s0;
	s0 =	simm.s32 @!p1 $0x0  }
0x14: {  	s2 =	sld [smem:$0x3F98];
	s0 =	simm.s32 @p1 $0x1  }
0x15: {  	[smem:$0x3FB5] =	sst s0;
	s0 =	simm.s32 @!p2 $0x0  }
0x16: {  	s3 =	sld [smem:$0x3FDB];
	s0 =	simm.s32 @p2 $0x1  }
0x17: {  	s4 =	simm.s32 $0x1BF5;
	[smem:$0x3FB7] =	sst s0  }
0x18: {  	s0 =	sld [smem:$0x3F9A];
	_ =	swait.ge [sflag:s4], $0x0  }
0x19: {  	s7 =	sld [smem:$0x3F9B]  }
0x1a: {  	s8 =	sadd.s32 $0xFFFFE003, lr  }
0x1b: {  	s9 =	sadd.s32 $0xFFFFFEF7, lr;
	s5 =	simm.s32 $0xFFFFFFFF;
	p2 =	slt.u32 s8, $0xFFFFF086  }
0x1c: {  	p1 =	slt.u32 s9, $0xF7A;
	s5 =	simm.s32 @!p2 $0x0  }
0x1d: {  	s5 =	simm.s32 @p1 $0x1;
	p0 =	seq.s32 s7, s2  }
0x1e: {  	s7 =	smul.u32 @!p0 $0xF7A, s2;
	p2 =	seq.s32 @!p0 s5, $0x0  }
0x1f: {  	s9 =	smul.u32 $0xF7A, s1;
	s8 =	simm.s32 @!p0 $0x1BF5;
	p2 =	por !p2, p0  }
0x20: {  	[sflag:s8] =	ssyncset.s32 @!p0 $0xFFFFF086;
	s6 =	sadd.s32 @!p0 s3, s7;
	s7 =	simm.s32 @!p0 $0x108  }
0x21: {  	s3 =	sadd.s32 s3, s9;
	s6 =	sadd.s32 @!p0 $0x88, s6;
	s7 =	simm.s32 @p2 $0x1082  }
0x22: {  	[simem:s7], [sflag:s8] =	dma.local @!p0 [hbm:s6], $0xF7A  }
0x23: {  	s9 =	sor.u32 $0xD0000000, s2;
	s6 =	simm.s32 $0x108;
	_ =	swait.ge @!p0 [sflag:s8], $0x0  }
0x24: {  	s3 =	sadd.s32 $0x88, s3;
	s6 =	simm.s32 @!p1 $0x1082;
	[sflag:s4] =	ssyncset.s32 $0xFFFFF086  }
0x25: {  	[simem:s6], [sflag:s4] =	dma.local [hbm:s3], $0xF7A  }
0x26: {  	[smem:$0x3F9B] =	sst s1;
	(tag) =	ssettag s2;
	_ =	strace s9  }
0x27: {  	s1 =	sld [smem:$0x3FAB]  }
0x28: {  	s2 =	sld [smem:$0x3FAC]  }
0x29: {  	s4 =	sld [smem:$0x3FAE]  }
0x2a: {  	p0 =	seq.s32 s5, $0x0;
	s5 =	sld [smem:$0x3FAF]  }
0x2b: {  	s6 =	sld [smem:$0x3FB0]  }
0x2c: {  	s7 =	sld [smem:$0x3FB1]  }
0x2d: {  	s3 =	simm.s32 $0x108;
	s8 =	sld [smem:$0x3FB2]  }
0x2e: {  	s3 =	simm.s32 @!p0 $0x1082;
	s9 =	sld [smem:$0x3FB3]  }
0x2f: {  	lr =	sadd.s32 s0, s3;
	s0 =	sld [smem:$0x3FAA]  }
0x30: {  	s3 =	sld [smem:$0x3FAD]  }
0x31: {  	[smem:$0x3FB6] =	sst s10  }
0x32: {  	s10 =	sld [smem:$0x3FB4];
	_ =	sdelay $0x3  }
0x33: {  	p0 =	seq.s32 s10, $0x1;
	s10 =	sld [smem:$0x3FB6];
	_ =	sdelay $0x3  }
0x34: {  	[smem:$0x3FB6] =	sst s10  }
0x35: {  	s10 =	sld [smem:$0x3FB5];
	_ =	sdelay $0x3  }
0x36: {  	p1 =	seq.s32 s10, $0x1;
	s10 =	sld [smem:$0x3FB6];
	_ =	sdelay $0x3  }
0x37: {  	[smem:$0x3FB6] =	sst s10  }
0x38: {  	s10 =	sld [smem:$0x3FB7]  }
0x39: {  	_ = 	snop;
	(pc) =	sbr.ind lr, $3  }
0x3a: {  	_ = 	snop  }
0x3b: {  	_ = 	snop  }
0x3c: {  	p2 =	seq.s32 s10, $0x1;
	s10 =	sld [smem:$0x3FB6]  }
0x3d: {  	_ =	shalt  }
0x3e: {  	_ =	shalt  }
0x3f: {  	_ =	shalt  }
0x40: {  	_ =	shalt  }
0x41: {  	_ =	shalt  }
0x42: {  	_ =	shalt  }
0x43: {  	_ =	shalt  }
0x44: {  	_ =	shalt  }
0x45: {  	_ =	shalt  }
0x46: {  	_ =	shalt  }
0x47: {  	_ =	shalt  }
0x48: {  	_ =	shalt  }
0x49: {  	_ =	shalt  }
0x4a: {  	_ =	shalt  }
0x4b: {  	_ =	shalt  }
0x4c: {  	_ =	shalt  }
0x4d: {  	_ =	shalt  }
0x4e: {  	_ =	shalt  }
0x4f: {  	_ =	shalt  }
0x50: {  	_ =	shalt  }
0x51: {  	_ =	shalt  }
0x52: {  	_ =	shalt  }
0x53: {  	_ =	shalt  }
0x54: {  	_ =	shalt  }
0x55: {  	_ =	shalt  }
0x56: {  	_ =	shalt  }
0x57: {  	_ =	shalt  }
0x58: {  	_ =	shalt  }
0x59: {  	_ =	shalt  }
0x5a: {  	_ =	shalt  }
0x5b: {  	_ =	shalt  }
0x5c: {  	_ =	shalt  }
0x5d: {  	_ =	shalt  }
0x5e: {  	_ =	shalt  }
0x5f: {  	_ =	shalt  }
0x60: {  	_ =	shalt  }
0x61: {  	_ =	shalt  }
0x62: {  	_ =	shalt  }
0x63: {  	_ =	shalt  }
0x64: {  	_ =	shalt  }
0x65: {  	_ =	shalt  }
0x66: {  	_ =	shalt  }
0x67: {  	_ =	shalt  }
0x68: {  	_ =	shalt  }
0x69: {  	_ =	shalt  }
0x6a: {  	_ =	shalt  }
0x6b: {  	_ =	shalt  }
0x6c: {  	_ =	shalt  }
0x6d: {  	_ =	shalt  }
0x6e: {  	_ =	shalt  }
0x6f: {  	_ =	shalt  }
0x70: {  	_ =	shalt  }
0x71: {  	_ =	shalt  }
0x72: {  	_ =	shalt  }
0x73: {  	_ =	shalt  }
0x74: {  	_ =	shalt  }
0x75: {  	_ =	shalt  }
0x76: {  	_ =	shalt  }
0x77: {  	_ =	shalt  }
0x78: {  	_ =	shalt  }
0x79: {  	_ =	shalt  }
0x7a: {  	_ =	shalt  }
0x7b: {  	_ =	shalt  }
0x7c: {  	_ =	shalt  }
0x7d: {  	_ =	shalt  }
0x7e: {  	_ =	shalt  }
0x7f: {  	_ =	shalt  }
0x80: {  	_ =	shalt  }
0x81: {  	_ =	shalt  }
0x82: {  	_ =	shalt  }
0x83: {  	_ =	shalt  }
0x84: {  	_ =	shalt  }
0x85: {  	_ =	shalt  }
0x86: {  	_ =	shalt  }
0x87: {  	_ =	shalt  }
.Lfunc_end0:
.L_simem_size_0:
called_computation_lowered:
.L_overlay_start_0:
0x88: {  	s2 =	sld [smem:$0x3FD9]  }
0x89: {  	s3 =	sld [smem:$0x3FFE];
	_ =	sdelay $0x1  }
0x8a: {  	s1 =	srdreg.scid  }
0x8b: {  	s0 =	sand.u32 $0x1, s1  }
0x8c: {  	s17 =	sshll.u32 s0, $0xA;
	s2 =	sadd.s32 s3, s2  }
0x8d: {  	s2 =	sadd.s32 s2, s17  }
0x8e: {  	[smem:$0x3FC2] =	sst s2  }
0x8f: {  	_ = 	snop  }
0x90: {  	s2 =	sld [smem:$0x3FC9]  }
0x91: {  	s18 =	sld [smem:$0x3FC8]  }
0x92: {  	s4 =	sld [smem:$0x3FC5]  }
0x93: {  	s5 =	sld [smem:$0x3FC4]  }
0x94: {  	s6 =	sld [smem:$0x3FD0];
	(tm) =	ssettm $0x1  }
0x95: {  	s7 =	sld [smem:$0x3FFB];
	_ =	sdelay $0x3  }
0x96: {  	_ =	strace s7  }
0x97: {  	s7 =	sld [smem:$0x3FFC];
	_ =	sdelay $0x3  }
0x98: {  	_ =	strace s7  }
0x99: {  	s7 =	sld [smem:$0x3FFD];
	_ =	sdelay $0x3  }
0x9a: {  	_ =	strace s7  }
0x9b: {  	_ =	strace $0x8FFFFFFF  }
0x9c: {  	s19 =	sld [smem:$0x3FDB];
	_ =	sdelay $0x1  }
0x9d: {  	s8 =	simm.s32 $_scs_section_size  }
0x9e: {  	s9 =	simm.s32 $_size__tile_overlayer_lowered;
	s10 =	simm.s32 $_tile_overlayer_lowered  }
0x9f: {  	s22 =	simm.s32 $0x1BFF;
	s21 =	sshll.u32 s10, $0x1;
	s7 =	sadd.s32 s8, s19  }
0xa0: {  	s11 =	simm.s32 $0x0;
	s20 =	sshll.u32 s9, $0x1;
	s9 =	sadd.s32 s21, s7  }
0xa1: {  	[timem:s11], [sflag:s22] =	dma.local [hbm:s9], s20  }
0xa2: {  	_ =	swait.ge [sflag:s22], s20  }
0xa3: {  	s8 =	ssub.s32 $0x0, s20;
	[sflag:s22] =	ssyncset.done $0x0  }
0xa4: {  	[sflag:s22] =	ssyncadd.s32 s8;
	_ =	sdelay $0x1  }
0xa5: {  	s23 =	simm.s32 $0x1B8B  }
0xa6: {  	_ =	swait.ge [sflag:s23], $0x1  }
0xa7: {  	[sflag:s23] =	ssyncset.done $0x0  }
0xa8: {  	s25 =	simm.s32 $0x1B8E;
	s24 =	sld [smem:$0x3FFE];
	[sflag:s23] =	ssyncadd.s32 $0xFFFFFFFF  }
0xa9: {  	s26 =	simm.s32 $execute0_lowered;
	[smem:$0x3FD2] =	sst s25  }
0xaa: {  	s9 =	sshll.u32 s26, $0x1;
	_ =	strace $0x80000046;
	[dreg:$0x1] =	wrdreg $0xFFFFFFFF  }
0xab: {  	s28 =	simm.s32 $_size_execute0_lowered;
	s7 =	sadd.s32 s7, s9;
	[dreg:$0x0] =	wrdreg $0x0  }
0xac: {  	s9 =	sshll.u32 s28, $0x1;
	[dreg:$0x2] =	wrdreg s7  }
0xad: {  	[dreg:$0x3] =	wrdreg s9  }
0xae: {  	[dreg:$0x4] =	wrdreg $0xC0  }
0xaf: {  	_ =	task [dreg:s11], $0x5FFFF  }
0xb0: {  	[dreg:$0x1] =	wrdreg $0xFFFFFFFF  }
0xb1: {  	[dreg:$0x0] =	wrdreg $0x60  }
0xb2: {  	[dreg:$0x2] =	wrdreg s2  }
0xb3: {  	[dreg:$0x3] =	wrdreg s18  }
0xb4: {  	[dreg:$0x4] =	wrdreg s24  }
0xb5: {  	[dreg:$0x5] =	wrdreg s4  }
0xb6: {  	[dreg:$0x6] =	wrdreg s5  }
0xb7: {  	[dreg:$0x7] =	wrdreg s6  }
0xb8: {  	[dreg:$0x8] =	wrdreg $0x9  }
0xb9: {  	_ =	task.clear_ibuf [dreg:s11], $0x9FFFF;
	_ =	strace $0x90000046  }
0xba: {  	s29 =	simm.s32 $0x9;
	_ =	strace $0x80000048  }
0xbb: {  	_ =	swait.ge [sflag:s29], $0x1  }
0xbc: {  	[sflag:s29] =	ssyncadd.s32 $0xFFFFFFFF  }
0xbd: {  	_ =	strace $0x90000048  }
0xbe: {  	_ =	sfence  }
0xbf: {  	s30 =	sld [smem:$0x0];
	_ =	sdelay $0x2  }
0xc0: {  	s31 =	sshll.u32 s1, $0xD;
	s1 =	sshrl.u32 s1, $0x2  }
0xc1: {  	s3 =	sand.u32 $0x4000, s31;
	s1 =	sadd.s32 s1, s30  }
0xc2: {  	s0 =	sor.u32 s3, s0;
	s1 =	sshll.u32 s1, $0x11  }
0xc3: {  	s0 =	sor.u32 s1, s0  }
0xc4: {  	s0 =	sadd.s32 $0x8F2B, s0  }
0xc5: {  	[sflag:s0] =	ssyncadd.remote.s32 $0x1  }
0xc6: {  	_ =	sfence.sel $0xFFFF  }
0xc7: {  	[dreg:$0x0] =	wrdreg $0xFFFFFFFF;
	(pc) =	sbr.abs _section_cstart, $3  }
0xc8: {  	[dreg:$0x1] =	wrdreg $0xFFFFFFFF  }
0xc9: {  	_ =	task.clear_ibuf [dreg:s11], $0x2FFFF;
	_ =	strace $0x9FFFFFFF  }
0xca: {  	(tm) =	ssettm $0x7FFFFFFF  }
0xcb: {  	_ =	shalt  }
tec
execute0_lowered:
.L_overlay_start_1:
0x0: {  	(tag) =	ssettag $0x1  }
0x1: {  	s0 =	rddreg [dreg:$0x0]  }
0x2: {  	s3 =	rddreg [dreg:$0x1]  }
0x3: {  	s6 =	rddreg [dreg:$0x2]  }
0x4: {  	s1 =	rddreg [dreg:$0x3]  }
0x5: {  	s2 =	rddreg [dreg:$0x4]  }
0x6: {  	s9 =	rddreg [dreg:$0x5];
	s4 =	simm.s32 $0x0;
	s5 =	srdreg.scid  }
0x7: {  	s8 =	stileid.u32;
	s12 =	simm.s32 $0x200;
	s13 =	simm.s32 $0x80  }
0x8: {  	s19 =	simm.s32 $0x280;
	s23 =	simm.s32 $0x100;
	s25 =	simm.s32 $0x300  }
0x9: {  	s28 =	simm.s32 $0x10500;
	s29 =	simm.s32 $0x10700;
	s30 =	simm.s32 $0x180  }
0xa: {  	s31 =	simm.s32 $0x6400;
	s14 =	simm.s32 $0x10580;
	s15 =	simm.s32 $0x10780  }
0xb: {  	s16 =	simm.s32 $0x1;
	s17 =	simm.s32 $0x10800;
	s18 =	simm.s32 $0x0  }
0xc: {  	[smem:$0x7FF] =	sst s4;
	s5 =	sand.u32 $0x1, s5;
	s8 =	sshll.u32 s8, $0x7  }
0xd: {  	vm0 =	vmmov $0x1;
	vm1 =	vmmov $0x3;
	vm2 =	vmmov $0x7;
	_ =	strace $0x80000047;
	s7 =	ssub.s32 $0x2, s5;
	s10 =	sshll.u32 s5, $0x6  }
0xe: {  	vm3 =	vmmov $0xf;
	vm4 =	vmmov $0x1f;
	vm5 =	vmmov $0x3f;
	s5 =	sadd.s32 $0xF42800, s6;
	s11 =	sshrl.u32 s7, $0x1;
	s10 =	sor.u32 s10, s8  }
0xf: {  	vm6 =	vmmov $0x7f;
	vm7 =	vmmov $0xff;
	vm8 =	vmmov $0x1ff;
	s6 =	sadd.s32 $0x16E3A00, s6;
	s11 =	ssub.s32 s7, s11;
	s7 =	sadd.s32 s0, s10  }
0x10: {  	vm9 =	vmmov $0x3ff;
	vm10 =	vmmov $0x7ff;
	vm11 =	vmmov $0xfff;
	s8 =	sadd.s32 s3, s10;
	s9 =	sadd.s32 s9, s10;
	s0 =	simm.s32 $0x380  }
0x11: {  	vm12 =	vmmov $0x1fff;
	vm13 =	vmmov $0x3fff;
	vm14 =	vmmov $0x7fff;
	s3 =	simm.s32 $0xE400;
	s10 =	smax.u32 s11, $0x1;
	s11 =	simm.s32 $0x2  }
.LBB2_1:
0x12: {  	[tilespmem:s4], [sflag:$0x2] =	stream.linear.gather [hbm4b:s7+s4], $0x200, $0x38;
	[tilespmem:$0x10A00] =	vst v63  }
0x13: {  	_ =	swait.ge [sflag:s11], $0x200  }
0x14: {  	[sflag:s11] =	ssyncset.done $0x0  }
0x15: {  	[sflag:s11] =	ssyncadd.s32 $0xFFFFFE00  }
0x16: {  	[tilespmem:s12], [sflag:$0x2] =	stream.linear.gather [hbm4b:s8+s4], $0x200, $0x38;
	[tilespmem:$0x10A00] =	vst v63  }
0x17: {  	_ =	swait.ge [sflag:s11], $0x200  }
0x18: {  	[sflag:s11] =	ssyncset.done $0x0  }
0x19: {  	s20 =	simm.s32 $0x400;
	[sflag:s11] =	ssyncadd.s32 $0xFFFFFE00  }
0x1a: {  	[tilespmem:s20], [sflag:$0x1] =	stream.indirect.gather [hbm4b:s5+s13], $0x40, s4, s13, $0xb8;
	[tilespmem:$0x10A00] =	vst v63  }
0x1b: {  	s26 =	simm.s32 $0x8400  }
0x1c: {  	[tilespmem:s26], [sflag:$0x1] =	stream.indirect.gather [hbm4b:s6+s13], $0x40, s12, s13, $0xb8;
	[tilespmem:$0x10A00] =	vst v63  }
0x1d: {  	s21 =	simm.s32 $0x10400  }
0x1e: {  	[tilespmem:s21], [sflag:$0x1] =	stream.indirect.gather [hbm4b:s1+s13], $0x1, s4, s13, $0xb8;
	[tilespmem:$0x10A00] =	vst v63  }
0x1f: {  	s22 =	simm.s32 $0x10600  }
0x20: {  	[tilespmem:s22], [sflag:$0x1] =	stream.indirect.gather [hbm4b:s2+s13], $0x1, s12, s13, $0xb8;
	[tilespmem:$0x10A00] =	vst v63  }
0x21: {  	s24 =	simm.s32 $0x2400  }
0x22: {  	[tilespmem:s24], [sflag:$0x1] =	stream.indirect.gather [hbm4b:s5+s13], $0x40, s13, s13, $0xb8;
	[tilespmem:$0x10A00] =	vst v63  }
0x23: {  	s26 =	simm.s32 $0xA400  }
0x24: {  	[tilespmem:s26], [sflag:$0x1] =	stream.indirect.gather [hbm4b:s6+s13], $0x40, s19, s13, $0xb8;
	[tilespmem:$0x10A00] =	vst v63  }
0x25: {  	s21 =	simm.s32 $0x10480  }
0x26: {  	[tilespmem:s21], [sflag:$0x1] =	stream.indirect.gather [hbm4b:s1+s13], $0x1, s13, s13, $0xb8;
	[tilespmem:$0x10A00] =	vst v63  }
0x27: {  	s22 =	simm.s32 $0x10680  }
0x28: {  	[tilespmem:s22], [sflag:$0x1] =	stream.indirect.gather [hbm4b:s2+s13], $0x1, s19, s13, $0xb8;
	[tilespmem:$0x10A00] =	vst v63  }
0x29: {  	s24 =	simm.s32 $0x4400  }
0x2a: {  	[tilespmem:s24], [sflag:$0x1] =	stream.indirect.gather [hbm4b:s5+s13], $0x40, s23, s13, $0xb8;
	[tilespmem:$0x10A00] =	vst v63  }
0x2b: {  	s26 =	simm.s32 $0xC400  }
0x2c: {  	[tilespmem:s26], [sflag:$0x1] =	stream.indirect.gather [hbm4b:s6+s13], $0x40, s25, s13, $0xb8;
	[tilespmem:$0x10A00] =	vst v63  }
0x2d: {  	_ = 	snop  }
0x2e: {  	[tilespmem:s28], [sflag:$0x1] =	stream.indirect.gather [hbm4b:s1+s13], $0x1, s23, s13, $0xb8;
	[tilespmem:$0x10A00] =	vst v63  }
0x2f: {  	_ = 	snop  }
0x30: {  	[tilespmem:s29], [sflag:$0x1] =	stream.indirect.gather [hbm4b:s2+s13], $0x1, s25, s13, $0xb8;
	[tilespmem:$0x10A00] =	vst v63  }
0x31: {  	_ = 	snop  }
0x32: {  	[tilespmem:s31], [sflag:$0x1] =	stream.indirect.gather [hbm4b:s5+s13], $0x40, s30, s13, $0xb8;
	[tilespmem:$0x10A00] =	vst v63  }
0x33: {  	_ = 	snop  }
0x34: {  	[tilespmem:s3], [sflag:$0x1] =	stream.indirect.gather [hbm4b:s6+s13], $0x40, s0, s13, $0xb8;
	[tilespmem:$0x10A00] =	vst v63  }
0x35: {  	_ = 	snop  }
0x36: {  	[tilespmem:s14], [sflag:$0x1] =	stream.indirect.gather [hbm4b:s1+s13], $0x1, s30, s13, $0xb8;
	[tilespmem:$0x10A00] =	vst v63  }
0x37: {  	_ = 	snop  }
0x38: {  	[tilespmem:s15], [sflag:$0x1] =	stream.indirect.gather [hbm4b:s2+s13], $0x1, s0, s13, $0xb8;
	[tilespmem:$0x10A00] =	vst v63  }
0x39: {  	_ =	swait.ge [sflag:s16], $0x2000  }
0x3a: {  	[sflag:s16] =	ssyncset.done $0x0  }
0x3b: {  	[sflag:s16] =	ssyncadd.s32 $0xFFFFE000  }
0x3c: {  	_ =	swait.ge [sflag:s16], $0x2000  }
0x3d: {  	[sflag:s16] =	ssyncset.done $0x0  }
0x3e: {  	[sflag:s16] =	ssyncadd.s32 $0xFFFFE000  }
0x3f: {  	_ =	swait.ge [sflag:s16], $0x80  }
0x40: {  	[sflag:s16] =	ssyncset.done $0x0  }
0x41: {  	[sflag:s16] =	ssyncadd.s32 $0xFFFFFF80  }
0x42: {  	_ =	swait.ge [sflag:s16], $0x80  }
0x43: {  	[sflag:s16] =	ssyncset.done $0x0  }
0x44: {  	[sflag:s16] =	ssyncadd.s32 $0xFFFFFF80  }
0x45: {  	_ =	swait.ge [sflag:s16], $0x2000  }
0x46: {  	[sflag:s16] =	ssyncset.done $0x0  }
0x47: {  	[sflag:s16] =	ssyncadd.s32 $0xFFFFE000  }
0x48: {  	_ =	swait.ge [sflag:s16], $0x2000  }
0x49: {  	[sflag:s16] =	ssyncset.done $0x0  }
0x4a: {  	[sflag:s16] =	ssyncadd.s32 $0xFFFFE000  }
0x4b: {  	_ =	swait.ge [sflag:s16], $0x80  }
0x4c: {  	[sflag:s16] =	ssyncset.done $0x0  }
0x4d: {  	[sflag:s16] =	ssyncadd.s32 $0xFFFFFF80  }
0x4e: {  	_ =	swait.ge [sflag:s16], $0x80  }
0x4f: {  	[sflag:s16] =	ssyncset.done $0x0  }
0x50: {  	[sflag:s16] =	ssyncadd.s32 $0xFFFFFF80  }
0x51: {  	_ =	swait.ge [sflag:s16], $0x2000  }
0x52: {  	[sflag:s16] =	ssyncset.done $0x0  }
0x53: {  	[sflag:s16] =	ssyncadd.s32 $0xFFFFE000  }
0x54: {  	_ =	swait.ge [sflag:s16], $0x2000  }
0x55: {  	[sflag:s16] =	ssyncset.done $0x0  }
0x56: {  	[sflag:s16] =	ssyncadd.s32 $0xFFFFE000  }
0x57: {  	_ =	swait.ge [sflag:s16], $0x80  }
0x58: {  	[sflag:s16] =	ssyncset.done $0x0  }
0x59: {  	[sflag:s16] =	ssyncadd.s32 $0xFFFFFF80  }
0x5a: {  	_ =	swait.ge [sflag:s16], $0x80  }
0x5b: {  	[sflag:s16] =	ssyncset.done $0x0  }
0x5c: {  	[sflag:s16] =	ssyncadd.s32 $0xFFFFFF80  }
0x5d: {  	_ =	swait.ge [sflag:s16], $0x2000  }
0x5e: {  	[sflag:s16] =	ssyncset.done $0x0  }
0x5f: {  	[sflag:s16] =	ssyncadd.s32 $0xFFFFE000  }
0x60: {  	_ =	swait.ge [sflag:s16], $0x2000  }
0x61: {  	[sflag:s16] =	ssyncset.done $0x0  }
0x62: {  	[sflag:s16] =	ssyncadd.s32 $0xFFFFE000  }
0x63: {  	_ =	swait.ge [sflag:s16], $0x80  }
0x64: {  	[sflag:s16] =	ssyncset.done $0x0  }
0x65: {  	[sflag:s16] =	ssyncadd.s32 $0xFFFFFF80  }
0x66: {  	_ =	swait.ge [sflag:s16], $0x80  }
0x67: {  	[sflag:s16] =	ssyncset.done $0x0  }
0x68: {  	s21 =	simm.s32 $0x600;
	[sflag:s16] =	ssyncadd.s32 $0xFFFFFF80  }
0x69: {  	s20 =	simm.s32 $0x8600;
	v5 =	vld [tilespmem:s21+$0x1B0]  }
0x6a: {  	v7 =	vld [tilespmem:s20+$0x1B0]  }
0x6b: {  	v0 =	vld [tilespmem:s21+$0x1C0]  }
0x6c: {  	v49 =	vld [tilespmem:s20+$0x1C0]  }
0x6d: {  	v50 =	vld [tilespmem:s21+$0x1D0]  }
0x6e: {  	v51 =	vld [tilespmem:s20+$0x1D0]  }
0x6f: {  	v52 =	vld [tilespmem:s21+$0x1A0]  }
0x70: {  	v63 =	vld [tilespmem:s20+$0x1A0]  }
0x71: {  	v13 =	vld [tilespmem:s21+$0x130]  }
0x72: {  	v14 =	vld [tilespmem:s20+$0x130]  }
0x73: {  	v53 =	vld [tilespmem:s21+$0x160]  }
0x74: {  	v30 =	vld [tilespmem:s21+$0x180]  }
0x75: {  	v31 =	vld [tilespmem:s20+$0x180]  }
0x76: {  	v32 =	vld [tilespmem:s21+$0x190]  }
0x77: {  	v29 =	vld [tilespmem:s20+$0x190]  }
0x78: {  	v20 =	vld [tilespmem:s21+$0xF0]  }
0x79: {  	v54 =	vld [tilespmem:s21+$0x120]  }
0x7a: {  	v55 =	vld [tilespmem:s20+$0x120]  }
0x7b: {  	v56 =	vld [tilespmem:s21+$0x140]  }
0x7c: {  	v57 =	vld [tilespmem:s20+$0x140]  }
0x7d: {  	v58 =	vld [tilespmem:s21+$0x150]  }
0x7e: {  	v59 =	vld [tilespmem:s20+$0x150]  }
0x7f: {  	v62 =	vld [tilespmem:s21+$0xE0]  }
0x80: {  	v33 =	vld [tilespmem:s20+$0xE0]  }
0x81: {  	v42 =	vld [tilespmem:s21+$0x100]  }
0x82: {  	v43 =	vld [tilespmem:s20+$0x100]  }
0x83: {  	v44 =	vld [tilespmem:s21+$0x110]  }
0x84: {  	v45 =	vld [tilespmem:s20+$0x110]  }
0x85: {  	v6 =	vld [tilespmem:s21+$0x70]  }
0x86: {  	v8 =	vld [tilespmem:s20+$0x70]  }
0x87: {  	v60 =	vld [tilespmem:s21+$0xA0]  }
0x88: {  	v48 =	vld [tilespmem:s21+$0xC0]  }
0x89: {  	v1 =	vld [tilespmem:s20+$0xC0]  }
0x8a: {  	v2 =	vld [tilespmem:s21+$0xD0]  }
0x8b: {  	v3 =	vld [tilespmem:s21+$0x30]  }
0x8c: {  	v4 =	vld [tilespmem:s20+$0x30]  }
0x8d: {  	v34 =	vld [tilespmem:s21+$0x60]  }
0x8e: {  	v61 =	vld [tilespmem:s21+$0x80]  }
0x8f: {  	v9 =	vld [tilespmem:s20+$0x80]  }
0x90: {  	v10 =	vld [tilespmem:s21+$0x90]  }
0x91: {  	v11 =	vld [tilespmem:s20+$0x90]  }
0x92: {  	v35 =	vld [tilespmem:s21+$0x20]  }
0x93: {  	v36 =	vld [tilespmem:s20+$0x20]  }
0x94: {  	v23 =	vld [tilespmem:s21+$0xFFFFFFB0]  }
0x95: {  	v37 =	vld [tilespmem:s20+$0xFFFFFFB0]  }
0x96: {  	v38 =	vld [tilespmem:s21+$0xFFFFFFE0]  }
0x97: {  	v46 =	vld [tilespmem:s20+$0x0]  }
0x98: {  	v47 =	vld [tilespmem:s21+$0x10]  }
0x99: {  	v41 =	vld [tilespmem:s20+$0x10]  }
0x9a: {  	v15 =	vld [tilespmem:s21+$0xFFFFFFC0]  }
0x9b: {  	v16 =	vld [tilespmem:s20+$0xFFFFFFC0]  }
0x9c: {  	v17 =	vld [tilespmem:s21+$0xFFFFFFD0]  }
0x9d: {  	v18 =	vld [tilespmem:s20+$0xFFFFFFD0]  }
0x9e: {  	v39 =	vld [tilespmem:s21+$0xFFFFFF60]  }
0x9f: {  	v40 =	vld [tilespmem:s20+$0xFFFFFF60]  }
0xa0: {  	v22 =	vld [tilespmem:s20+$0xFFFFFF80]  }
0xa1: {  	v21 =	vld [tilespmem:s20+$0xFFFFFF90]  }
0xa2: {  	v12 =	vld [tilespmem:s20+$0xFFFFFEF0]  }
0xa3: {  	v19 =	vld [tilespmem:s21+$0xFFFFFF20]  }
0xa4: {  	v27 =	vld [tilespmem:s21+$0xFFFFFEB0]  }
0xa5: {  	v28 =	vld [tilespmem:s20+$0xFFFFFEB0]  }
0xa6: {  	v24 =	vld [tilespmem:s20+$0xFFFFFF00]  }
0xa7: {  	v25 =	vld [tilespmem:s21+$0xFFFFFF10]  }
0xa8: {  	v26 =	vld [tilespmem:s20+$0xFFFFFF10]  }
0xa9: {  	[tilespmem:$0x1FEA0] =	vst v49;
	v49 =	vld [tilespmem:s20+$0xF0]  }
0xaa: {  	[tilespmem:$0x1FEC0] =	vst v51;
	v51 =	vld [tilespmem:s20+$0xD0]  }
0xab: {  	[tilespmem:$0x1FFA0] =	vst v55;
	v55 =	vld [tilespmem:s20+$0x60]  }
0xac: {  	[tilespmem:$0x1FF00] =	vst v58;
	v58 =	vld [tilespmem:s21+$0x40]  }
0xad: {  	[tilespmem:$0x1FF10] =	vst v59;
	v59 =	vld [tilespmem:s20+$0x40]  }
0xae: {  	[tilespmem:$0x1FF20] =	vst v60;
	v60 =	vld [tilespmem:s21+$0x50]  }
0xaf: {  	[tilespmem:$0x1FF30] =	vst v61;
	v61 =	vld [tilespmem:s20+$0x50]  }
0xb0: {  	[tilespmem:$0x1FF80] =	vst v52;
	v52 =	vld [tilespmem:s21+$0x0]  }
0xb1: {  	[tilespmem:$0x1FF40] =	vst v9;
	v9 =	vld [tilespmem:s21+$0xFFFFFF70]  }
0xb2: {  	[tilespmem:$0x1FF60] =	vst v11;
	v11 =	vld [tilespmem:s20+$0xFFFFFF70]  }
0xb3: {  	[tilespmem:$0x1FF90] =	vst v54;
	v54 =	vld [tilespmem:s21+$0xFFFFFFA0]  }
0xb4: {  	[tilespmem:$0x1FED0] =	vst v53;
	v53 =	vld [tilespmem:s20+$0xFFFFFFA0]  }
0xb5: {  	[tilespmem:$0x1FFC0] =	vst v36;
	v36 =	vld [tilespmem:s21+$0xFFFFFF80]  }
0xb6: {  	[tilespmem:$0x1FFB0] =	vst v35;
	v35 =	vld [tilespmem:s21+$0xFFFFFF90]  }
0xb7: {  	[tilespmem:$0x1FF50] =	vst v10;
	v10 =	vld [tilespmem:s21+$0xFFFFFEF0]  }
0xb8: {  	[tilespmem:$0x1FFF0] =	vst v40;
	v40 =	vld [tilespmem:s21+$0xFFFFFF40]  }
0xb9: {  	[tilespmem:$0x1FF70] =	vst v38;
	v38 =	vld [tilespmem:s20+$0xFFFFFF40]  }
0xba: {  	[tilespmem:$0x1FFE0] =	vst v39;
	v39 =	vld [tilespmem:s21+$0xFFFFFF50]  }
0xbb: {  	[tilespmem:$0x1FFD0] =	vst v37;
	v37 =	vld [tilespmem:s20+$0xFFFFFF50]  }
0xbc: {  	[tilespmem:$0x1FEF0] =	vst v57;
	v57 =	vld [tilespmem:s21+$0xFFFFFEE0]  }
0xbd: {  	[tilespmem:$0x1FEE0] =	vst v56;
	v56 =	vld [tilespmem:s20+$0xFFFFFEE0]  }
0xbe: {  	[tilespmem:$0x1FEB0] =	vst v50;
	v50 =	vld [tilespmem:s21+$0xFFFFFF00]  }
0xbf: {  	v32 =	vmul.f32 v29, v32;
	v29 =	vld [tilespmem:s21+$0xFFFFFE30]  }
0xc0: {  	v31 =	vmul.f32 v31, v30;
	v30 =	vld [tilespmem:s20+$0xFFFFFE30]  }
0xc1: {  	[tilespmem:$0x1FE90] =	vst v0;
	v42 =	vmul.f32 v43, v42;
	v0 =	vld [tilespmem:$0x1FF80]  }
0xc2: {  	v43 =	vmul.f32 v45, v44;
	v44 =	vmul.f32 v1, v48;
	v48 =	vld [tilespmem:$0x1FF90]  }
0xc3: {  	v33 =	vmul.f32 v33, v62;
	v62 =	vld [tilespmem:$0x1FFB0]  }
0xc4: {  	v42 =	vadd.f32 v43, v42;
	v43 =	vld [tilespmem:s20+$0xFFFFFE80]  }
0xc5: {  	v45 =	vmul.f32 v51, v2;
	v51 =	vld [tilespmem:$0x1FFA0]  }
0xc6: {  	v2 =	vld [tilespmem:s21+$0xFFFFFED0]  }
0xc7: {  	v58 =	vmul.f32 v59, v58;
	v59 =	vmul.f32 v46, v52;
	v46 =	vld [tilespmem:s21+$0xFFFFFE80]  }
0xc8: {  	v21 =	vmul.f32 v21, v35;
	v35 =	vld [tilespmem:s20+$0xFFFFFE00]  }
0xc9: {  	v22 =	vmul.f32 v22, v36;
	v36 =	vld [tilespmem:s21+$0xFFFFFE00];
	v63 =	vmul.f32 v63, v0;
	v0 =	vadd.f32 v32, v31  }
0xca: {  	v37 =	vmul.f32 v37, v39;
	v39 =	vld [tilespmem:s20+$0xFFFFFE10]  }
0xcb: {  	v38 =	vmul.f32 v38, v40;
	v40 =	vld [tilespmem:s20+$0xFFFFFE40];
	v0 =	vadd.f32 v63, v0;
	v63 =	vmul.f32 v51, v48  }
0xcc: {  	v31 =	vld [tilespmem:s21+$0xFFFFFEA0];
	v44 =	vadd.f32 v45, v44;
	v21 =	vadd.f32 v21, v22;
	v51 =	vmul.f32 v7, v5  }
0xcd: {  	v45 =	vld [tilespmem:s20+$0xFFFFFEC0];
	v22 =	vmul.f32 v53, v54;
	v42 =	vadd.f32 v63, v42;
	v63 =	vmul.f32 v14, v13  }
0xce: {  	v53 =	vld [tilespmem:$0x1FFD0];
	v44 =	vadd.f32 v33, v44;
	v5 =	vmul.f32 v49, v20;
	v0 =	vadd.f32 v51, v0  }
0xcf: {  	v42 =	vadd.f32 v63, v42;
	v63 =	vld [tilespmem:$0x1FFC0]  }
0xd0: {  	v54 =	vld [tilespmem:$0x1FFE0];
	v49 =	vmul.f32 v55, v34;
	v55 =	vadd.f32 v5, v44;
	(xrf2) =	vadd.scan.msk.f32 $0xffff, v0  }
0xd1: {  	v48 =	vld [tilespmem:s21+$0xFFFFFEC0];
	v7 =	vmul.f32 v61, v60;
	(xrf2) =	vadd.scan.msk.f32 $0xffff, v42  }
0xd2: {  	v41 =	vmul.f32 v41, v47;
	v51 =	vld [tilespmem:s20+$0xFFFFFED0];
	(xrf2) =	vadd.scan.msk.f32 $0xffff, v55  }
0xd3: {  	v58 =	vadd.f32 v7, v58;
	v55 =	vld [tilespmem:$0x1FFF0]  }
0xd4: {  	v32 =	vld [tilespmem:s20+$0xFFFFFEA0];
	v61 =	vadd.f32 v41, v59;
	v7 =	vmul.f32 v63, v62  }
0xd5: {  	v52 =	vmul.f32 v4, v3;
	v60 =	vmul.f32 v8, v6;
	v41 =	vld [tilespmem:s21+$0xFFFFFE90];
	v0 =	vadd.f32 v49, v58  }
0xd6: {  	v21 =	vadd.f32 v22, v21;
	v8 =	vld [tilespmem:s20+$0xFFFFFE90];
	v22 =	vmul.f32 v53, v23;
	v49 =	vadd.f32 v7, v61  }
0xd7: {  	v38 =	vadd.f32 v37, v38;
	v37 =	vld [tilespmem:s21+$0xFFFFFE10];
	v0 =	vadd.f32 v60, v0;
	v60 =	vmul.f32 v45, v48  }
0xd8: {  	v33 =	vld [tilespmem:s21+$0xFFFFFE20];
	v22 =	vadd.f32 v22, v21;
	v61 =	vmul.f32 v51, v2;
	v58 =	vmul.f32 v55, v54  }
0xd9: {  	v34 =	vld [tilespmem:s20+$0xFFFFFE20];
	v44 =	vmul.f32 v43, v46;
	v62 =	vmul.f32 v11, v9;
	v59 =	vadd.f32 v52, v49  }
0xda: {  	v43 =	vld [tilespmem:s20+$0xFFFFFE50];
	(xrf2) =	vadd.scan.msk.f32 $0xffff, v0;
	v63 =	vmul.f32 v56, v57;
	v45 =	vadd.f32 v61, v60;
	v42 =	vadd.f32 v58, v38;
	v49, _, _ =	vpop (xrf2)  }
0xdb: {  	v47 =	vmul.f32 v8, v41;
	v41 =	vld [tilespmem:s21+$0xFFFFFE50];
	(xrf2) =	vadd.scan.msk.f32 $0xffff, v59;
	v21, _, _ =	vpop (xrf2)  }
0xdc: {  	s22 =	simm.s32 $0x0;
	s24 =	simm.s32 $0x40;
	v46 =	vmul.f32 v12, v10;
	v38 =	vld [tilespmem:s21+$0xFFFFFE40];
	v45 =	vadd.f32 v63, v45;
	(xrf2) =	vadd.scan.msk.f32 $0xffff, v22;
	v42 =	vadd.f32 v62, v42;
	v22, _, _ =	vpop (xrf2)  }
.LBB2_2:
0xdd: {  	v48 =	vld [tilespmem:s21+$0xFFFFFE60]  }
0xde: {  	v8 =	vld [tilespmem:s20+$0xFFFFFE60]  }
0xdf: {  	v10 =	vld [tilespmem:s21+$0xFFFFFE70]  }
0xe0: {  	v11 =	vld [tilespmem:s20+$0xFFFFFE70]  }
0xe1: {  	v15 =	vmul.f32 v16, v15;
	v16 =	vmul.f32 v18, v17;
	v17 =	vld [tilespmem:s20+$0xA0]  }
0xe2: {  	v0 =	vld [tilespmem:$0x1FF70]  }
0xe3: {  	v1 =	vld [tilespmem:$0x1FF40]  }
0xe4: {  	v51 =	vld [tilespmem:$0x1FF50]  }
0xe5: {  	v52 =	vld [tilespmem:$0x1FF60]  }
0xe6: {  	v12 =	vld [tilespmem:s20+$0x160]  }
0xe7: {  	v53 =	vld [tilespmem:$0x1FF20]  }
0xe8: {  	v54 =	vld [tilespmem:s20+$0x170]  }
0xe9: {  	v55 =	vld [tilespmem:$0x1FEE0]  }
0xea: {  	v56 =	vld [tilespmem:$0x1FEF0]  }
0xeb: {  	v57 =	vld [tilespmem:$0x1FF00]  }
0xec: {  	v58 =	vld [tilespmem:$0x1FF10];
	v32 =	vmul.f32 v32, v31  }
0xed: {  	v59 =	vld [tilespmem:$0x1FED0];
	v35 =	vmul.f32 v35, v36;
	v7 =	vmul.f32 v39, v37  }
0xee: {  	v61 =	vld [tilespmem:$0x1FE90];
	v44 =	vadd.f32 v47, v44;
	(xrf2) =	vadd.scan.msk.f32 $0xffff, v42;
	v27 =	vmul.f32 v28, v27;
	v33 =	vmul.f32 v34, v33  }
0xef: {  	v9 =	vadd.f32 v46, v45;
	v47 =	vld [tilespmem:s20+$0xFFFFFF30];
	v40 =	vmul.f32 v40, v38;
	v43 =	vmul.f32 v43, v41  }
0xf0: {  	v29 =	vmul.f32 v30, v29;
	v32 =	vadd.f32 v32, v44;
	v28 =	vadd.f32 v7, v35;
	v44 =	vld [tilespmem:s20+$0xFFFFFF20]  }
0xf1: {  	v30 =	vld [tilespmem:s21+$0xFFFFFF30];
	v23 =	vmul.f32 v24, v50;
	v24 =	vmul.f32 v26, v25;
	v31, _, _ =	vpop (xrf2);
	(xrf2) =	vadd.scan.msk.f32 $0xffff, v9;
	v45 =	vadd.f32 v43, v40  }
0xf2: {  	v25 =	vld [tilespmem:s20+$0xFFFFFFE0];
	v46 =	vmul.f32 v8, v48;
	v27 =	vadd.f32 v27, v32;
	v28 =	vadd.f32 v33, v28  }
0xf3: {  	v50 =	vld [tilespmem:$0x1FF30]  }
0xf4: {  	v48 =	vld [tilespmem:s21+$0xFFFFFFF0];
	v38, _, _ =	vpop (xrf2);
	(xrf2) =	vadd.scan.msk.f32 $0xffff, v27;
	v27 =	vadd.f32 v29, v28;
	v28 =	vadd.f32 v46, v45;
	v29 =	vmul.f32 v11, v10  }
0xf5: {  	v23 =	vadd.f32 v24, v23;
	v24 =	vld [tilespmem:s20+$0xFFFFFFF0];
	v20 =	vmul.f32 v44, v19  }
0xf6: {  	v62 =	vld [tilespmem:$0x1FEA0];
	v26, _, _ =	vpop (xrf2);
	(xrf2) =	vadd.scan.msk.f32 $0xffff, v27;
	v27 =	vadd.f32 v29, v28  }
0xf7: {  	v15 =	vadd.f32 v16, v15;
	v16 =	vld [tilespmem:s20+$0xB0];
	v20 =	vadd.f32 v20, v23;
	v23 =	vmul.f32 v47, v30  }
0xf8: {  	v14 =	vmul.f32 v25, v0;
	v18, _, _ =	vpop (xrf2);
	v28 =	vld [tilespmem:s21+$0xB0];
	(xrf2) =	vadd.scan.msk.f32 $0xffff, v27  }
0xf9: {  	v34 =	vld [tilespmem:$0x1FEC0];
	v10 =	vmul.f32 v1, v50;
	v11 =	vmul.f32 v52, v51;
	v20 =	vadd.f32 v23, v20  }
0xfa: {  	v33 =	vld [tilespmem:$0x1FEB0];
	v14 =	vadd.f32 v14, v15;
	v15 =	vmul.f32 v24, v48  }
0xfb: {  	v9 =	vmul.f32 v17, v53;
	v10 =	vadd.f32 v11, v10;
	v13, _, _ =	vpop (xrf2);
	v23 =	vld [tilespmem:s21+$0x170];
	(xrf2) =	vadd.scan.msk.f32 $0xffff, v20  }
0xfc: {  	v5 =	vmul.f32 v56, v55;
	v6 =	vmul.f32 v58, v57;
	v7 =	vld [tilespmem:s21+$0x1E0];
	v14 =	vadd.f32 v15, v14  }
0xfd: {  	v15 =	vld [tilespmem:s20+$0x1E0];
	v9 =	vadd.f32 v9, v10;
	v16 =	vmul.f32 v16, v28  }
0xfe: {  	v60 =	vld [tilespmem:s21+$0x1F0];
	v4 =	vmul.f32 v12, v59;
	v5 =	vadd.f32 v6, v5;
	v8, _, _ =	vpop (xrf2);
	(xrf2) =	vadd.scan.msk.f32 $0xffff, v14  }
0xff: {  	v3 =	vld [tilespmem:s20+$0x1F0];
	v2 =	vmul.f32 v62, v61;
	v9 =	vadd.f32 v16, v9  }
0x100: {  	v12 =	vadd.f32 v4, v5;
	v0 =	vmul.f32 v34, v33;
	v32 =	vmul.f32 v54, v23  }
0x101: {  	v63, _, _ =	vpop (xrf2);
	(xrf2) =	vadd.scan.msk.f32 $0xffff, v9  }
0x102: {  	v0 =	vadd.f32 v0, v2;
	v36 =	vmul.f32 v15, v7;
	v35 =	vadd.f32 v32, v12;
	v37, _, _ =	vpop (xrf2)  }
0x103: {  	v39 =	vbroadcast v63, $0xF;
	v40 =	vbroadcast v37, $0xF  }
0x104: {  	v42 =	vmul.f32 v3, v60;
	v0 =	vadd.f32 v36, v0;
	v41 =	vbroadcast v8, $0xF;
	(xrf2) =	vadd.scan.msk.f32 $0xffff, v35  }
0x105: {  	v44 =	vbroadcast v13, $0xF;
	v43 =	vsel vm0, v39, v40;
	v45, _, _ =	vpop (xrf2)  }
0x106: {  	v0 =	vadd.f32 v42, v0;
	v1 =	vsel vm1, v43, v41;
	v46 =	vbroadcast v45, $0xF  }
0x107: {  	v47 =	vbroadcast v18, $0xF;
	v1 =	vsel vm2, v1, v44  }
0x108: {  	v48 =	vbroadcast v26, $0xF;
	v1 =	vsel vm3, v1, v46;
	v50, _, _ =	vpop (xrf2);
	(xrf2) =	vadd.scan.msk.f32 $0xffff, v0  }
0x109: {  	v51 =	vsel vm4, v1, v47;
	v52 =	vbroadcast v50, $0xF  }
0x10a: {  	v53 =	vbroadcast v38, $0xF;
	v0 =	vsel vm5, v51, v48  }
0x10b: {  	v54 =	vbroadcast v31, $0xF;
	v55, _, _ =	vpop (xrf2);
	v0 =	vsel vm6, v0, v52  }
0x10c: {  	v56 =	vbroadcast v55, $0xF;
	v0 =	vsel vm7, v0, v53  }
0x10d: {  	v57 =	vbroadcast v22, $0xF;
	v0 =	vsel vm8, v0, v54  }
0x10e: {  	s26 =	sshra.s32 s22, $0x2;
	v58 =	vbroadcast v21, $0xF;
	v59, _, _ =	vpop (xrf2);
	v0 =	vsel vm9, v0, v56  }
0x10f: {  	v61 =	vld [tilespmem:s26+$0x10400];
	v60 =	vbroadcast v59, $0xF;
	v0 =	vsel vm10, v0, v57  }
0x110: {  	v62 =	vbroadcast v49, $0xF;
	v0 =	vsel vm11, v0, v58  }
0x111: {  	v63 =	vld [tilespmem:s26+$0x10600];
	v0 =	vsel vm12, v0, v60  }
0x112: {  	v0 =	vsel vm13, v0, v62;
	v5, _, _ =	vpop (xrf2)  }
0x113: {  	v0 =	vsel vm14, v0, v5  }
0x114: {  	v0 =	vadd.f32 v0, v61;
	_ =	sdelay $0x1  }
0x115: {  	v0 =	vadd.f32 v0, v63;
	_ =	sdelay $0x1  }
0x116: {  	s21 =	sadd.s32 $0x400, s21;
	[tilespmem:s26+$0x10800] =	vst v0  }
0x117: {  	s20 =	sadd.s32 $0x400, s20;
	v0 =	vld [tilespmem:s21+$0x1B0]  }
0x118: {  	v21 =	vld [tilespmem:s20+$0x1B0]  }
0x119: {  	v6 =	vld [tilespmem:s21+$0x1C0]  }
0x11a: {  	v7 =	vld [tilespmem:s20+$0x1C0]  }
0x11b: {  	v8 =	vld [tilespmem:s21+$0x1D0]  }
0x11c: {  	v9 =	vld [tilespmem:s20+$0x1D0]  }
0x11d: {  	v26 =	vld [tilespmem:s21+$0x1A0]  }
0x11e: {  	v29 =	vld [tilespmem:s20+$0x1A0]  }
0x11f: {  	v33 =	vld [tilespmem:s21+$0x130]  }
0x120: {  	v35 =	vld [tilespmem:s20+$0x130]  }
0x121: {  	v10 =	vld [tilespmem:s21+$0x160]  }
0x122: {  	v24 =	vld [tilespmem:s21+$0x180]  }
0x123: {  	v25 =	vld [tilespmem:s20+$0x180]  }
0x124: {  	v30 =	vld [tilespmem:s21+$0x190]  }
0x125: {  	v47 =	vld [tilespmem:s20+$0x190]  }
0x126: {  	v22 =	vld [tilespmem:s21+$0xF0]  }
0x127: {  	v34 =	vld [tilespmem:s20+$0xF0]  }
0x128: {  	v31 =	vld [tilespmem:s21+$0x120]  }
0x129: {  	v32 =	vld [tilespmem:s20+$0x120]  }
0x12a: {  	v11 =	vld [tilespmem:s21+$0x140]  }
0x12b: {  	v36 =	vld [tilespmem:s20+$0x140]  }
0x12c: {  	v37 =	vld [tilespmem:s21+$0x150]  }
0x12d: {  	v38 =	vld [tilespmem:s20+$0x150]  }
0x12e: {  	v41 =	vld [tilespmem:s21+$0xE0]  }
0x12f: {  	v44 =	vld [tilespmem:s20+$0xE0]  }
0x130: {  	v53 =	vld [tilespmem:s21+$0x100]  }
0x131: {  	v54 =	vld [tilespmem:s20+$0x100]  }
0x132: {  	v55 =	vld [tilespmem:s21+$0x110]  }
0x133: {  	v56 =	vld [tilespmem:s20+$0x110]  }
0x134: {  	v39 =	vld [tilespmem:s21+$0x70]  }
0x135: {  	v40 =	vld [tilespmem:s21+$0xA0]  }
0x136: {  	v57 =	vld [tilespmem:s21+$0xC0]  }
0x137: {  	v58 =	vld [tilespmem:s20+$0xC0]  }
0x138: {  	v59 =	vld [tilespmem:s21+$0xD0]  }
0x139: {  	v60 =	vld [tilespmem:s20+$0xD0]  }
0x13a: {  	v42 =	vld [tilespmem:s21+$0x30]  }
0x13b: {  	v51 =	vld [tilespmem:s21+$0x60]  }
0x13c: {  	v52 =	vld [tilespmem:s20+$0x60]  }
0x13d: {  	v43 =	vld [tilespmem:s21+$0x80]  }
0x13e: {  	v45 =	vld [tilespmem:s20+$0x80]  }
0x13f: {  	v46 =	vld [tilespmem:s21+$0x90]  }
0x140: {  	v48 =	vld [tilespmem:s20+$0x90]  }
0x141: {  	v61 =	vld [tilespmem:s21+$0x40]  }
0x142: {  	v62 =	vld [tilespmem:s20+$0x40]  }
0x143: {  	v63 =	vld [tilespmem:s21+$0x50]  }
0x144: {  	v49 =	vld [tilespmem:s21+$0xFFFFFFE0]  }
0x145: {  	v1 =	vld [tilespmem:s21+$0x0]  }
0x146: {  	v2 =	vld [tilespmem:s20+$0x0]  }
0x147: {  	v3 =	vld [tilespmem:s21+$0x10]  }
0x148: {  	v4 =	vld [tilespmem:s20+$0x10]  }
0x149: {  	v50 =	vld [tilespmem:s21+$0xFFFFFF70]  }
0x14a: {  	v5 =	vld [tilespmem:s21+$0xFFFFFFA0]  }
0x14b: {  	v23 =	vld [tilespmem:s20+$0xFFFFFFC0]  }
0x14c: {  	v12 =	vld [tilespmem:s20+$0xFFFFFF90]  }
0x14d: {  	v13 =	vld [tilespmem:s21+$0xFFFFFEF0]  }
0x14e: {  	v19 =	vld [tilespmem:s21+$0xFFFFFF20]  }
0x14f: {  	v14 =	vld [tilespmem:s20+$0xFFFFFF40]  }
0x150: {  	v15 =	vld [tilespmem:s21+$0xFFFFFF50]  }
0x151: {  	v16 =	vld [tilespmem:s20+$0xFFFFFF50]  }
0x152: {  	v27 =	vld [tilespmem:s21+$0xFFFFFEB0]  }
0x153: {  	v28 =	vld [tilespmem:s20+$0xFFFFFEB0]  }
0x154: {  	v17 =	vld [tilespmem:s21+$0xFFFFFEE0]  }
0x155: {  	v18 =	vld [tilespmem:s20+$0xFFFFFEE0]  }
0x156: {  	[tilespmem:$0x1FE50] =	vst v39;
	v39 =	vld [tilespmem:s20+$0x70]  }
0x157: {  	[tilespmem:$0x1FF10] =	vst v38;
	v38 =	vld [tilespmem:s20+$0x30]  }
0x158: {  	[tilespmem:$0x1FF60] =	vst v48;
	v48 =	vld [tilespmem:s21+$0x20]  }
0x159: {  	[tilespmem:$0x1FEF0] =	vst v36;
	v36 =	vld [tilespmem:s20+$0x20]  }
0x15a: {  	[tilespmem:$0x1FE40] =	vst v0;
	v0 =	vld [tilespmem:s20+$0x50]  }
0x15b: {  	[tilespmem:$0x1FF00] =	vst v37;
	v37 =	vld [tilespmem:s21+$0xFFFFFFB0]  }
0x15c: {  	[tilespmem:$0x1FF40] =	vst v45;
	v45 =	vld [tilespmem:s20+$0xFFFFFFB0]  }
0x15d: {  	[tilespmem:$0x1FF20] =	vst v40;
	v40 =	vld [tilespmem:s20+$0xFFFFFF70]  }
0x15e: {  	[tilespmem:$0x1FE90] =	vst v6;
	v6 =	vld [tilespmem:s20+$0xFFFFFFA0]  }
0x15f: {  	[tilespmem:$0x1FF70] =	vst v49;
	v49 =	vld [tilespmem:s21+$0xFFFFFFC0]  }
0x160: {  	[tilespmem:$0x1FF30] =	vst v43;
	v43 =	vld [tilespmem:s21+$0xFFFFFFD0]  }
0x161: {  	[tilespmem:$0x1FE60] =	vst v42;
	v42 =	vld [tilespmem:s20+$0xFFFFFFD0]  }
0x162: {  	[tilespmem:$0x1FEA0] =	vst v7;
	v7 =	vld [tilespmem:s21+$0xFFFFFF60]  }
0x163: {  	[tilespmem:$0x1FEB0] =	vst v8;
	v8 =	vld [tilespmem:s20+$0xFFFFFF60]  }
0x164: {  	[tilespmem:$0x1FEC0] =	vst v9;
	v9 =	vld [tilespmem:s21+$0xFFFFFF80]  }
0x165: {  	[tilespmem:$0x1FED0] =	vst v10;
	v10 =	vld [tilespmem:s20+$0xFFFFFF80]  }
0x166: {  	[tilespmem:$0x1FEE0] =	vst v11;
	v11 =	vld [tilespmem:s21+$0xFFFFFF90]  }
0x167: {  	[tilespmem:$0x1FF50] =	vst v46;
	v46 =	vld [tilespmem:s20+$0xFFFFFEF0]  }
0x168: {  	[tilespmem:$0x1FE80] =	vst v13;
	v13 =	vld [tilespmem:s21+$0xFFFFFF40]  }
0x169: {  	[tilespmem:$0x1FE70] =	vst v50;
	v50 =	vld [tilespmem:s21+$0xFFFFFF00]  }
0x16a: {  	v20 =	vmul.f32 v25, v24;
	v24 =	vld [tilespmem:s20+$0xFFFFFF00]  }
0x16b: {  	v30 =	vmul.f32 v47, v30;
	v25 =	vld [tilespmem:s21+$0xFFFFFF10]  }
0x16c: {  	v47 =	vmul.f32 v54, v53;
	v53 =	vmul.f32 v32, v31;
	v31 =	vld [tilespmem:s21+$0xFFFFFEA0]  }
0x16d: {  	v32 =	vld [tilespmem:s20+$0xFFFFFEA0]  }
0x16e: {  	v58 =	vmul.f32 v58, v57;
	v57 =	vmul.f32 v60, v59;
	v60 =	vld [tilespmem:s20+$0xFFFFFED0]  }
0x16f: {  	v22 =	vmul.f32 v34, v22;
	v34 =	vld [tilespmem:s20+$0xFFFFFE20];
	v20 =	vadd.f32 v30, v20;
	v30 =	vmul.f32 v29, v26  }
0x170: {  	v41 =	vmul.f32 v44, v41;
	v44 =	vld [tilespmem:s20+$0xFFFFFE80]  }
0x171: {  	v20 =	vadd.f32 v30, v20;
	v30 =	vld [tilespmem:$0x1FE40]  }
0x172: {  	v59 =	vmul.f32 v62, v61;
	v61 =	vmul.f32 v52, v51;
	v52 =	vld [tilespmem:s20+$0xFFFFFE90]  }
0x173: {  	v51 =	vld [tilespmem:$0x1FE60];
	v58 =	vadd.f32 v57, v58  }
0x174: {  	v56 =	vmul.f32 v56, v55;
	v26 =	vld [tilespmem:s20+$0xFFFFFF10]  }
0x175: {  	v33 =	vmul.f32 v35, v33;
	v29 =	vld [tilespmem:s21+$0xFFFFFE30];
	v35 =	vadd.f32 v41, v58  }
0x176: {  	v47 =	vadd.f32 v56, v47;
	v41 =	vld [tilespmem:s21+$0xFFFFFE50];
	v21 =	vmul.f32 v21, v30  }
0x177: {  	v0 =	vmul.f32 v0, v63;
	v57 =	vmul.f32 v45, v37;
	v37 =	vld [tilespmem:s21+$0xFFFFFE10];
	v63 =	vadd.f32 v22, v35  }
0x178: {  	v35 =	vld [tilespmem:$0x1FE50];
	v20 =	vadd.f32 v21, v20;
	v21 =	vadd.f32 v53, v47  }
0x179: {  	v1 =	vmul.f32 v2, v1;
	v22 =	vld [tilespmem:s21+$0xFFFFFE80]  }
0x17a: {  	v62 =	vmul.f32 v4, v3;
	v2 =	vmul.f32 v38, v51;
	v38 =	vld [tilespmem:s21+$0xFFFFFE40];
	v21 =	vadd.f32 v33, v21  }
0x17b: {  	v47 =	vld [tilespmem:s21+$0xFFFFFEC0];
	(xrf2) =	vadd.scan.msk.f32 $0xffff, v20  }
0x17c: {  	v1 =	vadd.f32 v62, v1;
	v9 =	vmul.f32 v10, v9;
	v62 =	vmul.f32 v12, v11;
	v20 =	vld [tilespmem:s20+$0xFFFFFEC0];
	(xrf2) =	vadd.scan.msk.f32 $0xffff, v21  }
0x17d: {  	v0 =	vadd.f32 v0, v59;
	(xrf2) =	vadd.scan.msk.f32 $0xffff, v63;
	v63 =	vld [tilespmem:s21+$0xFFFFFE90]  }
0x17e: {  	v55 =	vmul.f32 v16, v15;
	v9 =	vadd.f32 v62, v9;
	v62 =	vmul.f32 v18, v17;
	v53 =	vld [tilespmem:s21+$0xFFFFFED0]  }
0x17f: {  	v17 =	vmovc v43;
	v43 =	vld [tilespmem:s20+$0xFFFFFE50];
	v0 =	vadd.f32 v61, v0;
	v4 =	vmul.f32 v39, v35;
	v39 =	vmul.f32 v36, v48  }
0x180: {  	v5 =	vmul.f32 v6, v5;
	v54 =	vmul.f32 v14, v13;
	v61 =	vld [tilespmem:$0x1FE70]  }
0x181: {  	v58 =	vmul.f32 v8, v7;
	v30 =	vld [tilespmem:s20+$0xFFFFFE30];
	v0 =	vadd.f32 v4, v0;
	v1 =	vadd.f32 v39, v1  }
0x182: {  	p0 =	sne.s32 s24, $0x7C0;
	v56 =	vadd.f32 v5, v9;
	v59 =	vmul.f32 v20, v47;
	v47 =	vmul.f32 v52, v63;
	v63 =	vld [tilespmem:$0x1FE80]  }
.Ltmp0:
0x183: {  	v35 =	vld [tilespmem:s20+$0xFFFFFE00];
	v1 =	vadd.f32 v2, v1;
	v60 =	vmul.f32 v60, v53;
	(xrf2) =	vadd.scan.msk.f32 $0xffff, v0;
	v0 =	vadd.f32 v55, v54;
	(pc) =	sbr.rel @p0 .LBB2_2-.Ltmp0, $4  }
0x184: {  	v15 =	vmov v49;
	v36 =	vld [tilespmem:s21+$0xFFFFFE00];
	v2 =	vadd.f32 v57, v56  }
0x185: {  	v33 =	vld [tilespmem:s21+$0xFFFFFE20];
	v5 =	vmul.f32 v40, v61;
	v0 =	vadd.f32 v58, v0;
	v49, _, _ =	vpop (xrf2);
	(xrf2) =	vadd.scan.msk.f32 $0xffff, v1;
	v1 =	vadd.f32 v60, v59  }
0x186: {  	v16 =	vmov v23;
	v18 =	vmov v42;
	v44 =	vmul.f32 v44, v22;
	v39 =	vld [tilespmem:s20+$0xFFFFFE10];
	v21, _, _ =	vpop (xrf2)  }
0x187: {  	s22 =	smov.u32 s24;
	s24 =	sadd.s32 $0x40, s24;
	v40 =	vld [tilespmem:s20+$0xFFFFFE40];
	v42 =	vadd.f32 v5, v0;
	(xrf2) =	vadd.scan.msk.f32 $0xffff, v2;
	v45 =	vadd.f32 v62, v1;
	v22, _, _ =	vpop (xrf2);
	v46 =	vmul.f32 v46, v63  }
0x188: {  	v0 =	vld [tilespmem:s21+$0xFFFFFE60]  }
0x189: {  	v1 =	vld [tilespmem:s20+$0xFFFFFE60]  }
0x18a: {  	v4 =	vld [tilespmem:s21+$0xFFFFFE70]  }
0x18b: {  	v8 =	vld [tilespmem:s20+$0xFFFFFE70]  }
0x18c: {  	v10 =	vld [tilespmem:s20+$0xFFFFFF20]  }
0x18d: {  	v12 =	vld [tilespmem:s21+$0xFFFFFF30]  }
0x18e: {  	v14 =	vld [tilespmem:s20+$0xFFFFFFE0]  }
0x18f: {  	v9 =	vmul.f32 v43, v41;
	v41 =	vld [tilespmem:s21+$0xFFFFFFF0]  }
0x190: {  	v43 =	vld [tilespmem:s20+$0xFFFFFFF0]  }
0x191: {  	v48 =	vld [tilespmem:s21+$0xB0]  }
0x192: {  	v51 =	vld [tilespmem:s20+$0xB0]  }
0x193: {  	v53 =	vld [tilespmem:$0x1FF30]  }
0x194: {  	v54 =	vld [tilespmem:$0x1FF40]  }
0x195: {  	v55 =	vld [tilespmem:$0x1FF50]  }
0x196: {  	v56 =	vld [tilespmem:$0x1FF60]  }
0x197: {  	v57 =	vld [tilespmem:s20+$0x160]  }
0x198: {  	v59 =	vld [tilespmem:s21+$0x170]  }
0x199: {  	v3 =	vmul.f32 v32, v31;
	v11 =	vmul.f32 v28, v27;
	v61 =	vld [tilespmem:$0x1FF20]  }
0x19a: {  	v62 =	vld [tilespmem:s20+$0x170];
	v5 =	vmul.f32 v35, v36;
	v6 =	vmul.f32 v39, v37  }
0x19b: {  	v2 =	vadd.f32 v47, v44;
	v13 =	vmul.f32 v30, v29;
	v20 =	vld [tilespmem:$0x1FF00];
	v35 =	vmul.f32 v40, v38  }
0x19c: {  	v23 =	vld [tilespmem:$0x1FF10];
	v7 =	vadd.f32 v46, v45;
	v36 =	vmul.f32 v34, v33;
	v5 =	vadd.f32 v6, v5  }
0x19d: {  	v2 =	vadd.f32 v3, v2;
	v37 =	vld [tilespmem:s20+$0xFFFFFF30];
	v0 =	vmul.f32 v1, v0;
	v3 =	vadd.f32 v9, v35  }
0x19e: {  	v39 =	vmul.f32 v26, v25;
	v38 =	vmul.f32 v24, v50;
	v50 =	vld [tilespmem:$0x1FF70];
	v5 =	vadd.f32 v36, v5  }
0x19f: {  	v29 =	vld [tilespmem:$0x1FED0];
	(xrf2) =	vadd.scan.msk.f32 $0xffff, v42;
	v2 =	vadd.f32 v11, v2;
	v40 =	vmul.f32 v8, v4;
	v0 =	vadd.f32 v0, v3  }
0x1a0: {  	v46 =	vld [tilespmem:s20+$0xA0];
	(xrf2) =	vadd.scan.msk.f32 $0xffff, v7;
	v42 =	vmul.f32 v10, v19;
	v6 =	vadd.f32 v39, v38;
	v5 =	vadd.f32 v13, v5  }
0x1a1: {  	v44 =	vmul.f32 v16, v15;
	v45 =	vmul.f32 v18, v17;
	v18 =	vld [tilespmem:$0x1FEE0];
	(xrf2) =	vadd.scan.msk.f32 $0xffff, v2;
	v0 =	vadd.f32 v40, v0  }
0x1a2: {  	v19 =	vld [tilespmem:$0x1FEF0];
	v47 =	vadd.f32 v42, v6;
	v1 =	vmul.f32 v37, v12;
	(xrf2) =	vadd.scan.msk.f32 $0xffff, v5  }
0x1a3: {  	v32 =	vld [tilespmem:$0x1FE90];
	v2 =	vadd.f32 v45, v44;
	v3 =	vmul.f32 v14, v50;
	(xrf2) =	vadd.scan.msk.f32 $0xffff, v0  }
0x1a4: {  	v33 =	vld [tilespmem:$0x1FEA0];
	v52 =	vadd.f32 v1, v47;
	v1 =	vmul.f32 v54, v53;
	v5 =	vmul.f32 v56, v55  }
0x1a5: {  	v58 =	vmul.f32 v43, v41;
	v36 =	vld [tilespmem:$0x1FEB0];
	v2 =	vadd.f32 v3, v2  }
0x1a6: {  	v60, _, _ =	vpop (xrf2);
	v37 =	vld [tilespmem:$0x1FEC0];
	v1 =	vadd.f32 v5, v1;
	v5 =	vmul.f32 v46, v61;
	(xrf2) =	vadd.scan.msk.f32 $0xffff, v52  }
0x1a7: {  	v27 =	vld [tilespmem:s20+$0x1E0];
	v11 =	vmul.f32 v23, v20;
	v63, _, _ =	vpop (xrf2);
	v3 =	vmul.f32 v19, v18;
	v2 =	vadd.f32 v58, v2  }
0x1a8: {  	v24 =	vld [tilespmem:s21+$0x1E0];
	v26 =	vmul.f32 v51, v48;
	v25, _, _ =	vpop (xrf2);
	v1 =	vadd.f32 v5, v1  }
0x1a9: {  	v30 =	vld [tilespmem:s21+$0x1F0];
	v10 =	vmul.f32 v57, v29;
	v28, _, _ =	vpop (xrf2);
	v3 =	vadd.f32 v11, v3;
	(xrf2) =	vadd.scan.msk.f32 $0xffff, v2  }
0x1aa: {  	v34 =	vld [tilespmem:s20+$0x1F0];
	v4 =	vmul.f32 v62, v59;
	v31, _, _ =	vpop (xrf2);
	v1 =	vadd.f32 v26, v1  }
0x1ab: {  	v9 =	vmul.f32 v37, v36;
	v5 =	vmul.f32 v33, v32;
	v3 =	vadd.f32 v10, v3;
	v35, _, _ =	vpop (xrf2)  }
0x1ac: {  	(xrf2) =	vadd.scan.msk.f32 $0xffff, v1;
	v38, _, _ =	vpop (xrf2)  }
0x1ad: {  	v41 =	vmul.f32 v27, v24;
	v39 =	vadd.f32 v4, v3;
	v40 =	vadd.f32 v9, v5;
	v42, _, _ =	vpop (xrf2)  }
0x1ae: {  	v43 =	vbroadcast v38, $0xF;
	v5 =	vbroadcast v42, $0xF  }
0x1af: {  	v45 =	vmul.f32 v34, v30;
	v44 =	vbroadcast v35, $0xF;
	v3 =	vadd.f32 v41, v40;
	(xrf2) =	vadd.scan.msk.f32 $0xffff, v39  }
0x1b0: {  	v2 =	vbroadcast v31, $0xF;
	v47, _, _ =	vpop (xrf2);
	v46 =	vsel vm0, v43, v5  }
0x1b1: {  	v3 =	vadd.f32 v45, v3;
	v5 =	vbroadcast v47, $0xF;
	v1 =	vsel vm1, v46, v44  }
0x1b2: {  	v48 =	vbroadcast v28, $0xF;
	v1 =	vsel vm2, v1, v2  }
0x1b3: {  	v50 =	vbroadcast v25, $0xF;
	(xrf2) =	vadd.scan.msk.f32 $0xffff, v3;
	v51, _, _ =	vpop (xrf2);
	v1 =	vsel vm3, v1, v5  }
0x1b4: {  	v52 =	vbroadcast v51, $0xF;
	v1 =	vsel vm4, v1, v48  }
0x1b5: {  	v0 =	vbroadcast v63, $0xF;
	v1 =	vsel vm5, v1, v50  }
0x1b6: {  	v53 =	vbroadcast v60, $0xF;
	v54, _, _ =	vpop (xrf2);
	v1 =	vsel vm6, v1, v52  }
0x1b7: {  	v55 =	vbroadcast v54, $0xF;
	v0 =	vsel vm7, v1, v0  }
0x1b8: {  	v56 =	vbroadcast v22, $0xF;
	v0 =	vsel vm8, v0, v53  }
0x1b9: {  	s26 =	sshra.s32 s22, $0x2;
	v57 =	vbroadcast v21, $0xF;
	v58, _, _ =	vpop (xrf2);
	v0 =	vsel vm9, v0, v55  }
0x1ba: {  	v60 =	vld [tilespmem:s26+$0x10400];
	v59 =	vbroadcast v58, $0xF;
	v0 =	vsel vm10, v0, v56  }
0x1bb: {  	v61 =	vbroadcast v49, $0xF;
	v0 =	vsel vm11, v0, v57  }
0x1bc: {  	v62 =	vld [tilespmem:s26+$0x10600];
	v0 =	vsel vm12, v0, v59  }
0x1bd: {  	v63, _, _ =	vpop (xrf2);
	v0 =	vsel vm13, v0, v61  }
0x1be: {  	v0 =	vsel vm14, v0, v63  }
0x1bf: {  	v0 =	vadd.f32 v0, v60;
	_ =	sdelay $0x1  }
0x1c0: {  	s18 =	sadd.s32 $0x1, s18;
	v0 =	vadd.f32 v0, v62  }
0x1c1: {  	p0 =	sne.s32 s18, s10  }
.Ltmp1:
0x1c2: {  	[tilespmem:s26+$0x10800] =	vst v0;
	(pc) =	sbr.rel @p0 .LBB2_1-.Ltmp1, $4  }
0x1c3: {  	[hbm4b:s9+s4] =	stream.linear.scatter [tilespmem:s17], [sflag:$0x2], $0x200, $0x38;
	[tilespmem:$0x10A00] =	vst v63  }
0x1c4: {  	_ =	swait.ge [sflag:s11], $0x200  }
0x1c5: {  	[sflag:s11] =	ssyncset.done $0x0  }
0x1c6: {  	[sflag:s11] =	ssyncadd.s32 $0xFFFFFE00  }
0x1c7: {  	_ =	sfence.sel $0x180000  }
0x1c8: {  	[bflag:$0x0] =	sbarrier.arrive $0xFFFF  }
0x1c9: {  	_ =	strace $0x90000047  }
0x1ca: {  	s0 =	stileid.u32;
	[bflag:$0x2] =	sbarrier.arrive $0xFFFF  }
0x1cb: {  	p0 =	sne.s32 s0, $0x0;
	s0 =	rddreg [dreg:$0x6]  }
0x1cc: {  	s0 =	sadd.s32 @!p0 $0x100000, s0  }
0x1cd: {  	[sflag:s0] =	ssyncadd.tile.s32 @!p0 $0x1;
	_ =	shalt  }
.Lfunc_end2:
_tile_overlayer_lowered:
.L_overlay_start_2:
0x1ce: {  	(tag) =	ssettag $0x2  }
0x1cf: {  	s0 =	rddreg [dreg:$0x0];
	s2 =	stileid.u32  }
0x1d0: {  	s1 =	rddreg [dreg:$0x1];
	p0 =	sne.s32 s2, $0x0  }
0x1d1: {  	s3 =	rddreg [dreg:$0x2];
	[bflag:$0x3] =	sbarrier.arrive $0xFFFF;
	s2 =	simm.s32 @!p0 $0x1C02  }
0x1d2: {  	[timem:s3], [sflag:s2] =	dma.local @!p0 [hbm:s0], s1  }
0x1d3: {  	s0 =	simm.s32 @!p0 $0x2  }
0x1d4: {  	_ =	swait.ge @!p0 [sflag:s0], s1  }
0x1d5: {  	s1 =	ssub.s32 @!p0 $0x0, s1;
	[sflag:s0] =	ssyncset.done @!p0 $0x0  }
0x1d6: {  	[sflag:s0] =	ssyncadd.s32 @!p0 s1  }
0x1d7: {  	[bflag:$0x3] =	sbarrier.arrive $0xFFFF  }
0x1d8: {  	_ =	shalt  }

</sc_bundles>
